<compile_context>
chip_gen: v7x
topology: tpu7x:2x2x1
jax: 0.10.2.dev20260603
libtpu: 0.0.44.dev20260713+nightly
codegen_flags: <defaults>
</compile_context>

<pallas_src>
import jax
import jax.numpy as jnp
from jax.experimental import pallas as pl
from jax.experimental.pallas import tpu as pltpu

B = 4
SEQL = 1024
ENC_IN = 1024
MARK = 4
D = 768
H = 12
E = 64
DFF = 1024
LAYERS = 2
BKT = 64
NH = 4
T0 = ENC_IN + MARK
T = 1152
NB = T // BKT
NC = NH * NB
BH = B * H
NT = NH * T

HP = jax.lax.Precision.DEFAULT
_C00 = (((0,), (0,)), ((), ()))
_C10 = (((1,), (0,)), ((), ()))
_C11 = (((1,), (1,)), ((), ()))


def _embed_krn(x_ref, xm_ref, w_ref, b_ref, enc_ref, m_ref, s_ref):
    x = x_ref[0]
    w = w_ref[...]
    m = jnp.mean(x, axis=0, keepdims=True)
    xc = x - m
    m2 = jnp.mean(xc, axis=0, keepdims=True)
    var = jnp.mean((xc - m2) ** 2, axis=0, keepdims=True)
    std = jnp.sqrt(var + 1e-5)
    xn = xc / std
    enc1 = jax.lax.dot_general(xn, w, _C00, precision=HP) + b_ref[...]
    xm = xm_ref[0]
    enc2 = jax.lax.dot_general(xm, w, _C00, precision=HP) + b_ref[...]
    pad = jnp.zeros((T - T0, D), jnp.float32)
    enc_ref[0] = jnp.concatenate([enc1, enc2, pad], axis=0)
    m_ref[0] = m
    s_ref[0] = std


def _qkv_krn(x_ref, wqk_ref, wv_ref, rot_ref, qkv_ref, dest_ref):
    x = x_ref[0]
    rowmask = jax.lax.broadcasted_iota(jnp.int32, (T, 1), 0) < T0
    x = jnp.where(rowmask, x, 0.0)
    qk = jax.lax.dot_general(x, wqk_ref[0], _C10, precision=HP)
    v = jax.lax.dot_general(x, wv_ref[0], _C10, precision=HP)
    qkv_ref[0] = jnp.concatenate([qk, v], axis=1)
    rtd = jax.lax.dot_general(qk, rot_ref[...], _C10, precision=HP)
    lane = jax.lax.broadcasted_iota(jnp.int32, (T, NB), 1)
    ohs = []
    for h in range(NH):
        r = rtd[:, h * (NB // 2):(h + 1) * (NB // 2)]
        full = jnp.concatenate([r, -r], axis=1)
        mx = jnp.max(full, axis=1, keepdims=True)
        bkt = jnp.min(jnp.where(full == mx, lane, NB), axis=1, keepdims=True)
        ohs.append((lane == bkt).astype(jnp.bfloat16))
    onehot = jnp.concatenate(ohs, axis=1)
    ii = jax.lax.broadcasted_iota(jnp.int32, (T, T), 0)
    jj = jax.lax.broadcasted_iota(jnp.int32, (T, T), 1)
    ltri = (jj <= ii).astype(jnp.bfloat16)
    cum = jax.lax.dot_general(ltri, onehot, _C10, precision=HP,
                              preferred_element_type=jnp.float32)
    counts = cum[T - 1:T, :]
    ia = jax.lax.broadcasted_iota(jnp.int32, (NC, NC), 0)
    ib = jax.lax.broadcasted_iota(jnp.int32, (NC, NC), 1)
    offs = jax.lax.dot_general(counts, (ia < ib).astype(jnp.float32),
                               _C10, precision=HP)
    ohf = onehot.astype(jnp.float32)
    sel = (cum + offs) * ohf
    for h in range(NH):
        d = jnp.sum(sel[:, h * NB:(h + 1) * NB], axis=1, keepdims=True) - 1.0
        dest_ref[0, :, h * T:(h + 1) * T] = jnp.transpose(d.astype(jnp.int32))


def _attn_krn(qkv_ref, st_ref, o_ref):
    def chunk(n, carry):
        p = jnp.where(n == 0, NC - 1, n - 1)
        cur = qkv_ref[0, n]
        prv = qkv_ref[0, p]
        bq = cur[:, :E]

        def nrm(c):
            q = c[:, :E]
            nn = jnp.sqrt(jnp.sum(q * q, axis=1, keepdims=True))
            return q / jnp.maximum(nn, 1e-9)

        bk = jnp.concatenate([nrm(cur), nrm(prv)], axis=0)
        bv = jnp.concatenate([cur[:, E:], prv[:, E:]], axis=0)
        dots = jax.lax.dot_general(bq, bk, _C11, precision=HP) * (E ** -0.5)
        tq = jnp.transpose(st_ref[0, n])
        tk = jnp.concatenate([st_ref[0, n], st_ref[0, p]], axis=1)
        dots = jnp.where(tq == tk, -5e4, dots)
        mx = jnp.max(dots, axis=1, keepdims=True)
        ex = jnp.exp(dots - mx)
        sm = jnp.sum(ex, axis=1, keepdims=True)
        lse = mx + jnp.log(sm)
        o = jax.lax.dot_general(ex / sm, bv, _C10, precision=HP)
        o_ref[0, n] = jnp.concatenate(
            [o, jnp.broadcast_to(lse, (BKT, 2 * E - E))], axis=1)
        return carry
    jax.lax.fori_loop(0, NC, chunk, 0)


def _comb_krn(og_ref, x_ref, wo_ref, bo_ref, o_ref):
    h = pl.program_id(1)
    ch = og_ref[0, 0]
    o = ch[:, :, :E]
    lse = ch[:, :, E:E + 1]
    m = jnp.max(lse, axis=0, keepdims=True)
    w = jnp.exp(lse - m)
    w = w / jnp.sum(w, axis=0, keepdims=True)
    head = jnp.sum(o * w, axis=0)
    part = jax.lax.dot_general(head, wo_ref[...], _C10, precision=HP)
    rowmask = jax.lax.broadcasted_iota(jnp.int32, (T, 1), 0) < T0

    @pl.when(h == 0)
    def _():
        o_ref[0] = x_ref[0] + jnp.where(rowmask, part + bo_ref[...], 0.0)

    @pl.when(h != 0)
    def _():
        o_ref[0] = o_ref[0] + jnp.where(rowmask, part, 0.0)


def _lnp(x, g, b):
    m = jnp.mean(x, axis=1, keepdims=True)
    v = jnp.mean((x - m) ** 2, axis=1, keepdims=True)
    return (x - m) * jax.lax.rsqrt(v + 1e-5) * g + b


def _ffn_krn(x_ref, w1_ref, b1_ref, w2_ref, b2_ref, g1_ref, gb1_ref,
             g2_ref, gb2_ref, o_ref):
    x = x_ref[0]
    xn = _lnp(x, g1_ref[...], gb1_ref[...])
    y = jax.lax.dot_general(xn, w1_ref[...], _C10, precision=HP) + b1_ref[...]
    y = 0.5 * y * (1.0 + jax.lax.erf(y * (2.0 ** -0.5)))
    y = jax.lax.dot_general(y, w2_ref[...], _C10, precision=HP) + b2_ref[...]
    o_ref[0] = _lnp(xn + y, g2_ref[...], gb2_ref[...])


def _row(x):
    return x.reshape(1, -1)


def kernel(x_enc, x_mark_enc, W_emb, b_emb, Wqk, Wv, Wo, bo, Wff1, bff1,
           Wff2, bff2, ln1_g, ln1_b, ln2_g, ln2_b, norm_g, norm_b, Wp, bp):
    f32 = jnp.float32
    enc, means, stds = pl.pallas_call(
        _embed_krn,
        grid=(B,),
        in_specs=[
            pl.BlockSpec((1, SEQL, ENC_IN), lambda b: (b, 0, 0)),
            pl.BlockSpec((1, SEQL, MARK), lambda b: (b, 0, 0)),
            pl.BlockSpec((SEQL, D), lambda b: (0, 0)),
            pl.BlockSpec((1, D), lambda b: (0, 0)),
        ],
        out_specs=[
            pl.BlockSpec((1, T, D), lambda b: (b, 0, 0)),
            pl.BlockSpec((1, 1, ENC_IN), lambda b: (b, 0, 0)),
            pl.BlockSpec((1, 1, ENC_IN), lambda b: (b, 0, 0)),
        ],
        out_shape=[
            jax.ShapeDtypeStruct((B, T, D), f32),
            jax.ShapeDtypeStruct((B, 1, ENC_IN), f32),
            jax.ShapeDtypeStruct((B, 1, ENC_IN), f32),
        ],
        compiler_params=pltpu.CompilerParams(
            dimension_semantics=("parallel",)),
    )(x_enc, x_mark_enc, W_emb, _row(b_emb))

    rng = jax.random.key(42)
    for l in range(LAYERS):
        rot = jax.random.normal(jax.random.fold_in(rng, l),
                                (E, NH, NB // 2), f32).reshape(E, NH * (NB // 2))
        wqk_h = Wqk[l].reshape(D, H, E).transpose(1, 0, 2)
        wv_h = Wv[l].reshape(D, H, E).transpose(1, 0, 2)
        qkv, dest3 = pl.pallas_call(
            _qkv_krn,
            grid=(B, H),
            in_specs=[
                pl.BlockSpec((1, T, D), lambda b, h: (b, 0, 0)),
                pl.BlockSpec((1, D, E), lambda b, h: (h, 0, 0)),
                pl.BlockSpec((1, D, E), lambda b, h: (h, 0, 0)),
                pl.BlockSpec((E, NH * (NB // 2)), lambda b, h: (0, 0)),
            ],
            out_specs=[
                pl.BlockSpec((1, T, 2 * E), lambda b, h: (b * H + h, 0, 0)),
                pl.BlockSpec((1, 1, NT), lambda b, h: (b * H + h, 0, 0)),
            ],
            out_shape=[
                jax.ShapeDtypeStruct((BH, T, 2 * E), f32),
                jax.ShapeDtypeStruct((BH, 1, NT), jnp.int32),
            ],
            compiler_params=pltpu.CompilerParams(
                dimension_semantics=("parallel", "parallel")),
        )(enc, wqk_h, wv_h, rot)

        undo = dest3.reshape(BH, NT)
        pos = jnp.broadcast_to(
            (jnp.arange(NT, dtype=jnp.int32) % T)[None, :], (BH, NT))
        st = jnp.zeros((BH, NT), jnp.int32).at[
            jnp.arange(BH)[:, None], undo].set(
                pos, unique_indices=True, mode='drop')

        sqkv = jnp.take_along_axis(qkv, st[..., None], axis=1)
        sqkv4 = sqkv.reshape(BH, NC, BKT, 2 * E)
        str4 = st.astype(f32).reshape(BH, NC, 1, BKT)

        so4 = pl.pallas_call(
            _attn_krn,
            grid=(BH,),
            in_specs=[
                pl.BlockSpec((1, NC, BKT, 2 * E), lambda r: (r, 0, 0, 0)),
                pl.BlockSpec((1, NC, 1, BKT), lambda r: (r, 0, 0, 0)),
            ],
            out_specs=pl.BlockSpec((1, NC, BKT, 2 * E), lambda r: (r, 0, 0, 0)),
            out_shape=jax.ShapeDtypeStruct((BH, NC, BKT, 2 * E), f32),
            compiler_params=pltpu.CompilerParams(
                dimension_semantics=("parallel",)),
        )(sqkv4, str4)

        sog = so4.reshape(BH, NT, 2 * E)
        og = jnp.take_along_axis(sog, undo[..., None], axis=1)
        og5 = og.reshape(B, H, NH, T, 2 * E)

        enc = pl.pallas_call(
            _comb_krn,
            grid=(B, H),
            in_specs=[
                pl.BlockSpec((1, 1, NH, T, 2 * E), lambda b, h: (b, h, 0, 0, 0)),
                pl.BlockSpec((1, T, D), lambda b, h: (b, 0, 0)),
                pl.BlockSpec((E, D), lambda b, h: (h, 0)),
                pl.BlockSpec((1, D), lambda b, h: (0, 0)),
            ],
            out_specs=pl.BlockSpec((1, T, D), lambda b, h: (b, 0, 0)),
            out_shape=jax.ShapeDtypeStruct((B, T, D), f32),
            compiler_params=pltpu.CompilerParams(
                dimension_semantics=("parallel", "arbitrary")),
        )(og5, enc, Wo[l], _row(bo[l]))

        enc = pl.pallas_call(
            _ffn_krn,
            grid=(B,),
            in_specs=[
                pl.BlockSpec((1, T, D), lambda b: (b, 0, 0)),
                pl.BlockSpec((D, DFF), lambda b: (0, 0)),
                pl.BlockSpec((1, DFF), lambda b: (0, 0)),
                pl.BlockSpec((DFF, D), lambda b: (0, 0)),
                pl.BlockSpec((1, D), lambda b: (0, 0)),
                pl.BlockSpec((1, D), lambda b: (0, 0)),
                pl.BlockSpec((1, D), lambda b: (0, 0)),
                pl.BlockSpec((1, D), lambda b: (0, 0)),
                pl.BlockSpec((1, D), lambda b: (0, 0)),
            ],
            out_specs=pl.BlockSpec((1, T, D), lambda b: (b, 0, 0)),
            out_shape=jax.ShapeDtypeStruct((B, T, D), f32),
            compiler_params=pltpu.CompilerParams(
                dimension_semantics=("parallel",)),
        )(enc, Wff1[l], _row(bff1[l]), Wff2[l], _row(bff2[l]),
          _row(ln1_g[l]), _row(ln1_b[l]), _row(ln2_g[l]), _row(ln2_b[l]))

    last = enc[:, T0 - 1, :]
    m = jnp.mean(last, axis=-1, keepdims=True)
    v = jnp.mean((last - m) ** 2, axis=-1, keepdims=True)
    xn = (last - m) / jnp.sqrt(v + 1e-5) * norm_g + norm_b
    dec = xn @ Wp + bp
    dec = dec * stds[:, 0, :][:, None, :]
    dec = dec + means[:, 0, :][:, None, :]
    return dec

# --- scband reference (transcript-rebuilt; emitter-appended) ---
"""Pipeline reference for scband-model-7610682048728 (READ-ONLY COPY).

The authoritative reference and input builder live on the scoring server;
editing this copy changes nothing except your own understanding.
"""

import jax, jax.numpy as jnp
import numpy as np

B = 4
SEQ = 1024
ENC_IN = 1024
MARK = 4
D_MODEL = 768
N_HEADS = 12
DIM_HEAD = 64
D_FF = 1024
E_LAYERS = 2
BUCKET = 64
N_HASHES = 4


def setup_inputs(seed=0):
    ks = jax.random.split(jax.random.key(seed), 16)
    s = 0.02
    return {
        'x_enc': jax.random.normal(ks[0], (B, SEQ, ENC_IN), jnp.float32),
        'x_mark_enc': jax.random.normal(ks[1], (B, SEQ, MARK), jnp.float32),
        'W_emb': jax.random.normal(ks[2], (SEQ, D_MODEL), jnp.float32) * s,
        'b_emb': jnp.zeros((D_MODEL,), jnp.float32),
        'Wqk': jax.random.normal(ks[3], (E_LAYERS, D_MODEL, D_MODEL), jnp.float32) * s,
        'Wv': jax.random.normal(ks[4], (E_LAYERS, D_MODEL, D_MODEL), jnp.float32) * s,
        'Wo': jax.random.normal(ks[5], (E_LAYERS, D_MODEL, D_MODEL), jnp.float32) * s,
        'bo': jnp.zeros((E_LAYERS, D_MODEL), jnp.float32),
        'Wff1': jax.random.normal(ks[6], (E_LAYERS, D_MODEL, D_FF), jnp.float32) * s,
        'bff1': jnp.zeros((E_LAYERS, D_FF), jnp.float32),
        'Wff2': jax.random.normal(ks[7], (E_LAYERS, D_FF, D_MODEL), jnp.float32) * s,
        'bff2': jnp.zeros((E_LAYERS, D_MODEL), jnp.float32),
        'ln1_g': jnp.ones((E_LAYERS, D_MODEL), jnp.float32),
        'ln1_b': jnp.zeros((E_LAYERS, D_MODEL), jnp.float32),
        'ln2_g': jnp.ones((E_LAYERS, D_MODEL), jnp.float32),
        'ln2_b': jnp.zeros((E_LAYERS, D_MODEL), jnp.float32),
        'norm_g': jnp.ones((D_MODEL,), jnp.float32),
        'norm_b': jnp.zeros((D_MODEL,), jnp.float32),
        'Wp': jax.random.normal(ks[8], (D_MODEL, 1), jnp.float32) * s,
        'bp': jnp.zeros((1,), jnp.float32),
    }


def _ln(x, g, b, eps=1e-5):
    m = x.mean(-1, keepdims=True)
    v = ((x - m) ** 2).mean(-1, keepdims=True)
    return (x - m) / jnp.sqrt(v + eps) * g + b


def _look_one_back(x):
    prev = jnp.concatenate([x[:, -1:], x[:, :-1]], axis=1)
    return jnp.concatenate([x, prev], axis=2)


def _lsh_self_attention(x, Wqk, Wv, Wo, bo, rng):
    b, t0, d = x.shape
    mlen = BUCKET * 2
    pad = (-t0) % mlen
    xp = jnp.pad(x, ((0, 0), (0, pad), (0, 0)))
    t = t0 + pad
    h, e = N_HEADS, DIM_HEAD
    qk = (xp @ Wqk).reshape(b, t, h, e).transpose(0, 2, 1, 3).reshape(b * h, t, e)
    v = (xp @ Wv).reshape(b, t, h, e).transpose(0, 2, 1, 3).reshape(b * h, t, e)
    n_buckets = t // BUCKET
    rot = jax.random.normal(rng, (e, N_HASHES, n_buckets // 2), jnp.float32)
    rotated = jnp.einsum('bte,ehn->bhtn', qk, rot)
    rotated = jnp.concatenate([rotated, -rotated], axis=-1)
    buckets = jnp.argmax(rotated, axis=-1)
    buckets = buckets + jnp.arange(N_HASHES)[None, :, None] * n_buckets
    buckets = buckets.reshape(b * h, N_HASHES * t)
    ticker = jnp.broadcast_to(jnp.arange(N_HASHES * t), (b * h, N_HASHES * t))
    buckets_and_t = t * buckets + (ticker % t)
    sticker = jnp.argsort(buckets_and_t, axis=-1)
    undo_sort = jnp.argsort(sticker, axis=-1)
    st = sticker % t
    sqk = jnp.take_along_axis(qk, st[..., None], axis=1)
    sv = jnp.take_along_axis(v, st[..., None], axis=1)
    n_chunks = N_HASHES * n_buckets
    bq_t = st.reshape(b * h, n_chunks, BUCKET)
    bq = sqk.reshape(b * h, n_chunks, BUCKET, e)
    bk = bq / jnp.maximum(jnp.linalg.norm(bq, axis=-1, keepdims=True), 1e-9)
    bv = sv.reshape(b * h, n_chunks, BUCKET, e)
    bk = _look_one_back(bk)
    bv = _look_one_back(bv)
    bkv_t = _look_one_back(bq_t)
    dots = jnp.einsum('bnie,bnje->bnij', bq, bk) * (e ** -0.5)
    self_mask = bq_t[:, :, :, None] == bkv_t[:, :, None, :]
    dots = jnp.where(self_mask, -5e4, dots)
    dots_lse = jax.scipy.special.logsumexp(dots, axis=-1, keepdims=True)
    probs = jnp.exp(dots - dots_lse)
    bo_chunks = jnp.einsum('bnij,bnje->bnie', probs, bv)
    so = bo_chunks.reshape(b * h, N_HASHES * t, e)
    slog = dots_lse.reshape(b * h, N_HASHES * t)
    o = jnp.take_along_axis(so, undo_sort[..., None], axis=1)
    logits = jnp.take_along_axis(slog, undo_sort, axis=1)
    o = o.reshape(b * h, N_HASHES, t, e)
    logits = logits.reshape(b * h, N_HASHES, t, 1)
    w = jnp.exp(logits - jax.scipy.special.logsumexp(logits, axis=1, keepdims=True))
    out = (o * w).sum(axis=1)
    out = out.reshape(b, h, t, e).transpose(0, 2, 1, 3).reshape(b, t, d)
    out = out @ Wo + bo
    return out[:, :t0, :]


def _forward(x_enc, x_mark_enc, W_emb, b_emb, Wqk, Wv, Wo, bo, Wff1, bff1, Wff2, bff2, ln1_g, ln1_b, ln2_g, ln2_b, norm_g, norm_b, Wp, bp):
    means = jax.lax.stop_gradient(x_enc.mean(axis=1, keepdims=True))
    x = x_enc - means
    stdev = jnp.sqrt(x.var(axis=1, keepdims=True) + 1e-5)
    x = x / stdev
    x = jnp.transpose(x, (0, 2, 1))
    xm = jnp.transpose(x_mark_enc, (0, 2, 1))
    enc = jnp.concatenate([x, xm], axis=1) @ W_emb + b_emb
    rng = jax.random.key(42)
    for l in range(E_LAYERS):
        attn_out = _lsh_self_attention(enc, Wqk[l], Wv[l], Wo[l], bo[l], jax.random.fold_in(rng, l))
        enc = enc + attn_out
        xn = _ln(enc, ln1_g[l], ln1_b[l])
        y = jax.nn.gelu(xn @ Wff1[l] + bff1[l], approximate=False)
        y = y @ Wff2[l] + bff2[l]
        enc = _ln(xn + y, ln2_g[l], ln2_b[l])
    enc = _ln(enc, norm_g, norm_b)
    last = enc[:, -1, :]
    dec = last @ Wp + bp
    dec = dec * stdev[:, 0, :][:, None, :]
    dec = dec + means[:, 0, :][:, None, :]
    return dec


def reference(x_enc, x_mark_enc, W_emb, b_emb, Wqk, Wv, Wo, bo, Wff1, bff1, Wff2, bff2, ln1_g, ln1_b, ln2_g, ln2_b, norm_g, norm_b, Wp, bp):
    return _forward(x_enc, x_mark_enc, W_emb, b_emb, Wqk, Wv, Wo, bo, Wff1, bff1, Wff2, bff2, ln1_g, ln1_b, ln2_g, ln2_b, norm_g, norm_b, Wp, bp)

if __name__ == "__main__":
    import jax
    _d = setup_inputs()
    print(jax.jit(kernel)(*tuple(_d.values())))

</pallas_src>

<mosaic_0001>
module attributes {stable_mosaic.version = 14 : i64} {
  func.func @_embed_krn(%arg0: i32, %arg1: memref<1x1024x1024xf32, #tpu.memory_space<vmem>>, %arg2: memref<1x1024x4xf32, #tpu.memory_space<vmem>>, %arg3: memref<1024x768xf32, #tpu.memory_space<vmem>>, %arg4: memref<1x768xf32, #tpu.memory_space<vmem>>, %arg5: memref<1x1152x768xf32, #tpu.memory_space<vmem>>, %arg6: memref<1x1x1024xf32, #tpu.memory_space<vmem>>, %arg7: memref<1x1x1024xf32, #tpu.memory_space<vmem>>) attributes {dimension_semantics = [#tpu.dimension_semantics<parallel>], iteration_bounds = array<i64: 4>, scalar_prefetch = 0 : i64, scratch_operands = 0 : i64, tpu.core_type = #tpu.core_type<tc>, window_params = [{transform_indices = @transform_0, window_bounds = array<i64: 1, 1024, 1024>}, {transform_indices = @transform_1, window_bounds = array<i64: 1, 1024, 4>}, {pipeline_mode = #tpu.pipeline_mode<synchronous>, transform_indices = @transform_2, window_bounds = array<i64: 1024, 768>}, {pipeline_mode = #tpu.pipeline_mode<synchronous>, transform_indices = @transform_3, window_bounds = array<i64: 1, 768>}, {transform_indices = @transform_4, window_bounds = array<i64: 1, 1152, 768>}, {transform_indices = @transform_5, window_bounds = array<i64: 1, 1, 1024>}, {transform_indices = @transform_6, window_bounds = array<i64: 1, 1, 1024>}]} {
    %get3A = arith.constant 0 : index
    %get3A_0 = arith.constant 0 : index
    %get3A_1 = arith.constant 0 : index
    %get3A_2 = vector.load %arg1[%get3A, %get3A_0, %get3A_1] : memref<1x1024x1024xf32, #tpu.memory_space<vmem>>, vector<1x1024x1024xf32>
    %get3A_3 = vector.shape_cast %get3A_2 : vector<1x1024x1024xf32> to vector<1024x1024xf32>
    %get3A_4 = arith.constant 0 : index
    %get3A_5 = arith.constant 0 : index
    %get3A_6 = vector.load %arg3[%get3A_4, %get3A_5] : memref<1024x768xf32, #tpu.memory_space<vmem>>, vector<1024x768xf32>
    %reduce_sum3A = arith.constant dense<0.000000e+00> : vector<1024xf32>
    %reduce_sum3A_7 = vector.multi_reduction <add>, %get3A_3, %reduce_sum3A [0] : vector<1024x1024xf32> to vector<1024xf32>
    %broadcast_in_dim3A = vector.shape_cast %reduce_sum3A_7 : vector<1024xf32> to vector<1x1024xf32>
    %div3A = arith.constant 1.024000e+03 : f32
    %div3A_8 = vector.broadcast %div3A : f32 to vector<1x1024xf32>
    %div3A_9 = arith.divf %broadcast_in_dim3A, %div3A_8 : vector<1x1024xf32>
    %sub3A = vector.broadcast %div3A_9 : vector<1x1024xf32> to vector<1024x1024xf32>
    %sub3A_10 = arith.subf %get3A_3, %sub3A : vector<1024x1024xf32>
    %reduce_sum3A_11 = arith.constant dense<0.000000e+00> : vector<1024xf32>
    %reduce_sum3A_12 = vector.multi_reduction <add>, %sub3A_10, %reduce_sum3A_11 [0] : vector<1024x1024xf32> to vector<1024xf32>
    %broadcast_in_dim3A_13 = vector.shape_cast %reduce_sum3A_12 : vector<1024xf32> to vector<1x1024xf32>
    %div3A_14 = arith.constant 1.024000e+03 : f32
    %div3A_15 = vector.broadcast %div3A_14 : f32 to vector<1x1024xf32>
    %div3A_16 = arith.divf %broadcast_in_dim3A_13, %div3A_15 : vector<1x1024xf32>
    %sub3A_17 = vector.broadcast %div3A_16 : vector<1x1024xf32> to vector<1024x1024xf32>
    %sub3A_18 = arith.subf %sub3A_10, %sub3A_17 : vector<1024x1024xf32>
    %integer_pow3A = arith.mulf %sub3A_18, %sub3A_18 : vector<1024x1024xf32>
    %reduce_sum3A_19 = arith.constant dense<0.000000e+00> : vector<1024xf32>
    %reduce_sum3A_20 = vector.multi_reduction <add>, %integer_pow3A, %reduce_sum3A_19 [0] : vector<1024x1024xf32> to vector<1024xf32>
    %broadcast_in_dim3A_21 = vector.shape_cast %reduce_sum3A_20 : vector<1024xf32> to vector<1x1024xf32>
    %div3A_22 = arith.constant 1.024000e+03 : f32
    %div3A_23 = vector.broadcast %div3A_22 : f32 to vector<1x1024xf32>
    %div3A_24 = arith.divf %broadcast_in_dim3A_21, %div3A_23 : vector<1x1024xf32>
    %add3A = arith.constant 9.99999974E-6 : f32
    %add3A_25 = vector.broadcast %add3A : f32 to vector<1x1024xf32>
    %add3A_26 = arith.addf %div3A_24, %add3A_25 : vector<1x1024xf32>
    %sqrt3A = math.sqrt %add3A_26 : vector<1x1024xf32>
    %div3A_27 = vector.broadcast %sqrt3A : vector<1x1024xf32> to vector<1024x1024xf32>
    %div3A_28 = arith.divf %sub3A_10, %div3A_27 : vector<1024x1024xf32>
    %dot_general3A = arith.constant dense<0.000000e+00> : vector<1024x768xf32>
    %dot_general3A_29 = tpu.matmul %div3A_28, %get3A_6, %dot_general3A {dimension_numbers = #tpu.dot_dimension_numbers<[0], [0], [1], [1], [0, 1, 1, 1], [], []>, transpose_lhs_hint = false} : vector<1024x1024xf32>, vector<1024x768xf32>, vector<1024x768xf32> -> vector<1024x768xf32>
    %get3A_30 = arith.constant 0 : index
    %get3A_31 = arith.constant 0 : index
    %get3A_32 = vector.load %arg4[%get3A_30, %get3A_31] : memref<1x768xf32, #tpu.memory_space<vmem>>, vector<1x768xf32>
    %add3A_33 = vector.broadcast %get3A_32 : vector<1x768xf32> to vector<1024x768xf32>
    %add3A_34 = arith.addf %dot_general3A_29, %add3A_33 : vector<1024x768xf32>
    %get3A_35 = arith.constant 0 : index
    %get3A_36 = arith.constant 0 : index
    %get3A_37 = arith.constant 0 : index
    %get3A_38 = vector.load %arg2[%get3A_35, %get3A_36, %get3A_37] : memref<1x1024x4xf32, #tpu.memory_space<vmem>>, vector<1x1024x4xf32>
    %get3A_39 = vector.shape_cast %get3A_38 : vector<1x1024x4xf32> to vector<1024x4xf32>
    %dot_general3A_40 = arith.constant dense<0.000000e+00> : vector<4x768xf32>
    %dot_general3A_41 = tpu.matmul %get3A_39, %get3A_6, %dot_general3A_40 {dimension_numbers = #tpu.dot_dimension_numbers<[0], [0], [1], [1], [0, 1, 1, 1], [], []>, transpose_lhs_hint = false} : vector<1024x4xf32>, vector<1024x768xf32>, vector<4x768xf32> -> vector<4x768xf32>
    %get3A_42 = arith.constant 0 : index
    %get3A_43 = arith.constant 0 : index
    %get3A_44 = vector.load %arg4[%get3A_42, %get3A_43] : memref<1x768xf32, #tpu.memory_space<vmem>>, vector<1x768xf32>
    %add3A_45 = vector.broadcast %get3A_44 : vector<1x768xf32> to vector<4x768xf32>
    %add3A_46 = arith.addf %dot_general3A_41, %add3A_45 : vector<4x768xf32>
    %broadcast_in_dim3A_47 = arith.constant 0.000000e+00 : f32
    %broadcast_in_dim3A_48 = vector.broadcast %broadcast_in_dim3A_47 : f32 to vector<124x768xf32>
    %concatenate3A = tpu.concatenate %add3A_34, %add3A_46, %broadcast_in_dim3A_48 in 0 : vector<1024x768xf32>, vector<4x768xf32>, vector<124x768xf32> -> vector<1152x768xf32>
    %swap3A = arith.constant 0 : index
    %swap3A_49 = arith.constant 0 : index
    %swap3A_50 = arith.constant 0 : index
    %swap3A_51 = vector.load %arg5[%swap3A, %swap3A_49, %swap3A_50] : memref<1x1152x768xf32, #tpu.memory_space<vmem>>, vector<1x1152x768xf32>
    %swap3A_52 = vector.shape_cast %swap3A_51 : vector<1x1152x768xf32> to vector<1152x768xf32>
    %swap3A_53 = vector.shape_cast %concatenate3A : vector<1152x768xf32> to vector<1x1152x768xf32>
    tpu.vector_store %arg5[%swap3A, %swap3A_49, %swap3A_50], %swap3A_53 {strides = array<i32>} : memref<1x1152x768xf32, #tpu.memory_space<vmem>>, vector<1x1152x768xf32>,
    %swap3A_54 = arith.constant 0 : index
    %swap3A_55 = arith.constant 0 : index
    %swap3A_56 = arith.constant 0 : index
    %swap3A_57 = vector.load %arg6[%swap3A_54, %swap3A_55, %swap3A_56] : memref<1x1x1024xf32, #tpu.memory_space<vmem>>, vector<1x1x1024xf32>
    %swap3A_58 = vector.shape_cast %swap3A_57 : vector<1x1x1024xf32> to vector<1x1024xf32>
    %swap3A_59 = vector.shape_cast %div3A_9 : vector<1x1024xf32> to vector<1x1x1024xf32>
    tpu.vector_store %arg6[%swap3A_54, %swap3A_55, %swap3A_56], %swap3A_59 {strides = array<i32>} : memref<1x1x1024xf32, #tpu.memory_space<vmem>>, vector<1x1x1024xf32>,
    %swap3A_60 = arith.constant 0 : index
    %swap3A_61 = arith.constant 0 : index
    %swap3A_62 = arith.constant 0 : index
    %swap3A_63 = vector.load %arg7[%swap3A_60, %swap3A_61, %swap3A_62] : memref<1x1x1024xf32, #tpu.memory_space<vmem>>, vector<1x1x1024xf32>
    %swap3A_64 = vector.shape_cast %swap3A_63 : vector<1x1x1024xf32> to vector<1x1024xf32>
    %swap3A_65 = vector.shape_cast %sqrt3A : vector<1x1024xf32> to vector<1x1x1024xf32>
    tpu.vector_store %arg7[%swap3A_60, %swap3A_61, %swap3A_62], %swap3A_65 {strides = array<i32>} : memref<1x1x1024xf32, #tpu.memory_space<vmem>>, vector<1x1x1024xf32>,
    return
  }
  func.func @transform_0(%arg0: i32) -> (i32, i32, i32) {
    %c0_i32 = arith.constant 0 : i32
    %c0_i32_0 = arith.constant 0 : i32
    %c0_i32_1 = arith.constant 0 : i32
    return %arg0, %c0_i32, %c0_i32_0 : i32, i32, i32
  }
  func.func @transform_1(%arg0: i32) -> (i32, i32, i32) {
    %c0_i32 = arith.constant 0 : i32
    %c0_i32_0 = arith.constant 0 : i32
    %c0_i32_1 = arith.constant 0 : i32
    return %arg0, %c0_i32, %c0_i32_0 : i32, i32, i32
  }
  func.func @transform_2(%arg0: i32) -> (i32, i32) {
    %c0_i32 = arith.constant 0 : i32
    %c0_i32_0 = arith.constant 0 : i32
    %c0_i32_1 = arith.constant 0 : i32
    return %c0_i32, %c0_i32_0 : i32, i32
  }
  func.func @transform_3(%arg0: i32) -> (i32, i32) {
    %c0_i32 = arith.constant 0 : i32
    %c0_i32_0 = arith.constant 0 : i32
    %c0_i32_1 = arith.constant 0 : i32
    return %c0_i32, %c0_i32_0 : i32, i32
  }
  func.func @transform_4(%arg0: i32) -> (i32, i32, i32) {
    %c0_i32 = arith.constant 0 : i32
    %c0_i32_0 = arith.constant 0 : i32
    %c0_i32_1 = arith.constant 0 : i32
    return %arg0, %c0_i32, %c0_i32_0 : i32, i32, i32
  }
  func.func @transform_5(%arg0: i32) -> (i32, i32, i32) {
    %c0_i32 = arith.constant 0 : i32
    %c0_i32_0 = arith.constant 0 : i32
    %c0_i32_1 = arith.constant 0 : i32
    return %arg0, %c0_i32, %c0_i32_0 : i32, i32, i32
  }
  func.func @transform_6(%arg0: i32) -> (i32, i32, i32) {
    %c0_i32 = arith.constant 0 : i32
    %c0_i32_0 = arith.constant 0 : i32
    %c0_i32_1 = arith.constant 0 : i32
    return %arg0, %c0_i32, %c0_i32_0 : i32, i32, i32
  }
}

module attributes {stable_mosaic.version = 14 : i64} {
  func.func @_qkv_krn(%arg0: i32, %arg1: i32, %arg2: memref<1x1152x768xf32, #tpu.memory_space<vmem>>, %arg3: memref<1x768x64xf32, #tpu.memory_space<vmem>>, %arg4: memref<1x768x64xf32, #tpu.memory_space<vmem>>, %arg5: memref<64x36xf32, #tpu.memory_space<vmem>>, %arg6: memref<1x1152x128xf32, #tpu.memory_space<vmem>>, %arg7: memref<1x1x4608xi32, #tpu.memory_space<vmem>>) attributes {dimension_semantics = [#tpu.dimension_semantics<parallel>, #tpu.dimension_semantics<parallel>], iteration_bounds = array<i64: 4, 12>, scalar_prefetch = 0 : i64, scratch_operands = 0 : i64, tpu.core_type = #tpu.core_type<tc>, window_params = [{transform_indices = @transform_0, window_bounds = array<i64: 1, 1152, 768>}, {transform_indices = @transform_1, window_bounds = array<i64: 1, 768, 64>}, {transform_indices = @transform_2, window_bounds = array<i64: 1, 768, 64>}, {pipeline_mode = #tpu.pipeline_mode<synchronous>, transform_indices = @transform_3, window_bounds = array<i64: 64, 36>}, {transform_indices = @transform_4, window_bounds = array<i64: 1, 1152, 128>}, {transform_indices = @transform_5, window_bounds = array<i64: 1, 1, 4608>}]} {
    %get3A = arith.constant 0 : index
    %get3A_0 = arith.constant 0 : index
    %get3A_1 = arith.constant 0 : index
    %get3A_2 = vector.load %arg2[%get3A, %get3A_0, %get3A_1] : memref<1x1152x768xf32, #tpu.memory_space<vmem>>, vector<1x1152x768xf32>
    %get3A_3 = vector.shape_cast %get3A_2 : vector<1x1152x768xf32> to vector<1152x768xf32>
    %iota3A = tpu.iota {dimensions = array<i32: 0>} : vector<1152x1xi32>
    %lt3A = arith.constant 1028 : i32
    %lt3A_4 = vector.broadcast %lt3A : i32 to vector<1152x1xi32>
    %lt3A_5 = arith.cmpi slt, %iota3A, %lt3A_4 : vector<1152x1xi32>
    %jit3A = arith.constant 0.000000e+00 : f32
    %broadcast_in_dim3A = vector.shape_cast %lt3A_5 : vector<1152x1xi1> to vector<1152x1xi1>
    %broadcast_in_dim3A_6 = vector.broadcast %broadcast_in_dim3A : vector<1152x1xi1> to vector<1152x768xi1>
    %broadcast_in_dim3A_7 = vector.broadcast %jit3A : f32 to vector<1152x768xf32>
    %select_n3A = arith.select %broadcast_in_dim3A_6, %get3A_3, %broadcast_in_dim3A_7 : vector<1152x768xi1>, vector<1152x768xf32>
    %get3A_8 = arith.constant 0 : index
    %get3A_9 = arith.constant 0 : index
    %get3A_10 = arith.constant 0 : index
    %get3A_11 = vector.load %arg3[%get3A_8, %get3A_9, %get3A_10] : memref<1x768x64xf32, #tpu.memory_space<vmem>>, vector<1x768x64xf32>
    %get3A_12 = vector.shape_cast %get3A_11 : vector<1x768x64xf32> to vector<768x64xf32>
    %dot_general3A = arith.constant dense<0.000000e+00> : vector<1152x64xf32>
    %dot_general3A_13 = tpu.matmul %select_n3A, %get3A_12, %dot_general3A {dimension_numbers = #tpu.dot_dimension_numbers<[1], [0], [0], [1], [0, 0, 1, 1], [], []>, transpose_lhs_hint = false} : vector<1152x768xf32>, vector<768x64xf32>, vector<1152x64xf32> -> vector<1152x64xf32>
    %get3A_14 = arith.constant 0 : index
    %get3A_15 = arith.constant 0 : index
    %get3A_16 = arith.constant 0 : index
    %get3A_17 = vector.load %arg4[%get3A_14, %get3A_15, %get3A_16] : memref<1x768x64xf32, #tpu.memory_space<vmem>>, vector<1x768x64xf32>
    %get3A_18 = vector.shape_cast %get3A_17 : vector<1x768x64xf32> to vector<768x64xf32>
    %dot_general3A_19 = arith.constant dense<0.000000e+00> : vector<1152x64xf32>
    %dot_general3A_20 = tpu.matmul %select_n3A, %get3A_18, %dot_general3A_19 {dimension_numbers = #tpu.dot_dimension_numbers<[1], [0], [0], [1], [0, 0, 1, 1], [], []>, transpose_lhs_hint = false} : vector<1152x768xf32>, vector<768x64xf32>, vector<1152x64xf32> -> vector<1152x64xf32>
    %concatenate3A = tpu.concatenate %dot_general3A_13, %dot_general3A_20 in 1 : vector<1152x64xf32>, vector<1152x64xf32> -> vector<1152x128xf32>
    %swap3A = arith.constant 0 : index
    %swap3A_21 = arith.constant 0 : index
    %swap3A_22 = arith.constant 0 : index
    %swap3A_23 = vector.load %arg6[%swap3A, %swap3A_21, %swap3A_22] : memref<1x1152x128xf32, #tpu.memory_space<vmem>>, vector<1x1152x128xf32>
    %swap3A_24 = vector.shape_cast %swap3A_23 : vector<1x1152x128xf32> to vector<1152x128xf32>
    %swap3A_25 = vector.shape_cast %concatenate3A : vector<1152x128xf32> to vector<1x1152x128xf32>
    tpu.vector_store %arg6[%swap3A, %swap3A_21, %swap3A_22], %swap3A_25 {strides = array<i32>} : memref<1x1152x128xf32, #tpu.memory_space<vmem>>, vector<1x1152x128xf32>,
    %get3A_26 = arith.constant 0 : index
    %get3A_27 = arith.constant 0 : index
    %get3A_28 = vector.load %arg5[%get3A_26, %get3A_27] : memref<64x36xf32, #tpu.memory_space<vmem>>, vector<64x36xf32>
    %dot_general3A_29 = arith.constant dense<0.000000e+00> : vector<1152x36xf32>
    %dot_general3A_30 = tpu.matmul %dot_general3A_13, %get3A_28, %dot_general3A_29 {dimension_numbers = #tpu.dot_dimension_numbers<[1], [0], [0], [1], [0, 0, 1, 1], [], []>, transpose_lhs_hint = false} : vector<1152x64xf32>, vector<64x36xf32>, vector<1152x36xf32> -> vector<1152x36xf32>
    %iota3A_31 = tpu.iota {dimensions = array<i32: 1>} : vector<1152x18xi32>
    %slice3A = vector.extract_strided_slice %dot_general3A_30 {offsets = [0, 0], sizes = [1152, 9], strides = [1, 1]} : vector<1152x36xf32> to vector<1152x9xf32>
    %neg3A = arith.constant 0.000000e+00 : f32
    %neg3A_32 = vector.broadcast %neg3A : f32 to vector<1152x9xf32>
    %neg3A_33 = arith.subf %neg3A_32, %slice3A : vector<1152x9xf32>
    %concatenate3A_34 = tpu.concatenate %slice3A, %neg3A_33 in 1 : vector<1152x9xf32>, vector<1152x9xf32> -> vector<1152x18xf32>
    %reduce_max3A = arith.constant dense<0xFF800000> : vector<1152xf32>
    %reduce_max3A_35 = vector.multi_reduction <maximumf>, %concatenate3A_34, %reduce_max3A [1] : vector<1152x18xf32> to vector<1152xf32>
    %broadcast_in_dim3A_36 = vector.shape_cast %reduce_max3A_35 : vector<1152xf32> to vector<1152x1xf32>
    %eq3A = vector.broadcast %broadcast_in_dim3A_36 : vector<1152x1xf32> to vector<1152x18xf32>
    %eq3A_37 = arith.cmpf oeq, %concatenate3A_34, %eq3A : vector<1152x18xf32>
    %jit3A_38 = arith.constant 18 : i32
    %broadcast_in_dim3A_39 = vector.broadcast %jit3A_38 : i32 to vector<1152x18xi32>
    %select_n3A_40 = arith.select %eq3A_37, %iota3A_31, %broadcast_in_dim3A_39 : vector<1152x18xi1>, vector<1152x18xi32>
    %reduce_min3A = arith.constant dense<2147483647> : vector<1152xi32>
    %reduce_min3A_41 = vector.multi_reduction <minsi>, %select_n3A_40, %reduce_min3A [1] : vector<1152x18xi32> to vector<1152xi32>
    %broadcast_in_dim3A_42 = vector.shape_cast %reduce_min3A_41 : vector<1152xi32> to vector<1152x1xi32>
    %eq3A_43 = vector.broadcast %broadcast_in_dim3A_42 : vector<1152x1xi32> to vector<1152x18xi32>
    %eq3A_44 = arith.cmpi eq, %iota3A_31, %eq3A_43 : vector<1152x18xi32>
    %convert_element_type3A = arith.extui %eq3A_44 : vector<1152x18xi1> to vector<1152x18xi32>
    %convert_element_type3A_45 = arith.sitofp %convert_element_type3A : vector<1152x18xi32> to vector<1152x18xf32>
    %convert_element_type3A_46 = arith.truncf %convert_element_type3A_45 : vector<1152x18xf32> to vector<1152x18xbf16>
    %slice3A_47 = vector.extract_strided_slice %dot_general3A_30 {offsets = [0, 9], sizes = [1152, 9], strides = [1, 1]} : vector<1152x36xf32> to vector<1152x9xf32>
    %neg3A_48 = arith.constant 0.000000e+00 : f32
    %neg3A_49 = vector.broadcast %neg3A_48 : f32 to vector<1152x9xf32>
    %neg3A_50 = arith.subf %neg3A_49, %slice3A_47 : vector<1152x9xf32>
    %concatenate3A_51 = tpu.concatenate %slice3A_47, %neg3A_50 in 1 : vector<1152x9xf32>, vector<1152x9xf32> -> vector<1152x18xf32>
    %reduce_max3A_52 = arith.constant dense<0xFF800000> : vector<1152xf32>
    %reduce_max3A_53 = vector.multi_reduction <maximumf>, %concatenate3A_51, %reduce_max3A_52 [1] : vector<1152x18xf32> to vector<1152xf32>
    %broadcast_in_dim3A_54 = vector.shape_cast %reduce_max3A_53 : vector<1152xf32> to vector<1152x1xf32>
    %eq3A_55 = vector.broadcast %broadcast_in_dim3A_54 : vector<1152x1xf32> to vector<1152x18xf32>
    %eq3A_56 = arith.cmpf oeq, %concatenate3A_51, %eq3A_55 : vector<1152x18xf32>
    %jit3A_57 = arith.constant 18 : i32
    %broadcast_in_dim3A_58 = vector.broadcast %jit3A_57 : i32 to vector<1152x18xi32>
    %select_n3A_59 = arith.select %eq3A_56, %iota3A_31, %broadcast_in_dim3A_58 : vector<1152x18xi1>, vector<1152x18xi32>
    %reduce_min3A_60 = arith.constant dense<2147483647> : vector<1152xi32>
    %reduce_min3A_61 = vector.multi_reduction <minsi>, %select_n3A_59, %reduce_min3A_60 [1] : vector<1152x18xi32> to vector<1152xi32>
    %broadcast_in_dim3A_62 = vector.shape_cast %reduce_min3A_61 : vector<1152xi32> to vector<1152x1xi32>
    %eq3A_63 = vector.broadcast %broadcast_in_dim3A_62 : vector<1152x1xi32> to vector<1152x18xi32>
    %eq3A_64 = arith.cmpi eq, %iota3A_31, %eq3A_63 : vector<1152x18xi32>
    %convert_element_type3A_65 = arith.extui %eq3A_64 : vector<1152x18xi1> to vector<1152x18xi32>
    %convert_element_type3A_66 = arith.sitofp %convert_element_type3A_65 : vector<1152x18xi32> to vector<1152x18xf32>
    %convert_element_type3A_67 = arith.truncf %convert_element_type3A_66 : vector<1152x18xf32> to vector<1152x18xbf16>
    %slice3A_68 = vector.extract_strided_slice %dot_general3A_30 {offsets = [0, 18], sizes = [1152, 9], strides = [1, 1]} : vector<1152x36xf32> to vector<1152x9xf32>
    %neg3A_69 = arith.constant 0.000000e+00 : f32
    %neg3A_70 = vector.broadcast %neg3A_69 : f32 to vector<1152x9xf32>
    %neg3A_71 = arith.subf %neg3A_70, %slice3A_68 : vector<1152x9xf32>
    %concatenate3A_72 = tpu.concatenate %slice3A_68, %neg3A_71 in 1 : vector<1152x9xf32>, vector<1152x9xf32> -> vector<1152x18xf32>
    %reduce_max3A_73 = arith.constant dense<0xFF800000> : vector<1152xf32>
    %reduce_max3A_74 = vector.multi_reduction <maximumf>, %concatenate3A_72, %reduce_max3A_73 [1] : vector<1152x18xf32> to vector<1152xf32>
    %broadcast_in_dim3A_75 = vector.shape_cast %reduce_max3A_74 : vector<1152xf32> to vector<1152x1xf32>
    %eq3A_76 = vector.broadcast %broadcast_in_dim3A_75 : vector<1152x1xf32> to vector<1152x18xf32>
    %eq3A_77 = arith.cmpf oeq, %concatenate3A_72, %eq3A_76 : vector<1152x18xf32>
    %jit3A_78 = arith.constant 18 : i32
    %broadcast_in_dim3A_79 = vector.broadcast %jit3A_78 : i32 to vector<1152x18xi32>
    %select_n3A_80 = arith.select %eq3A_77, %iota3A_31, %broadcast_in_dim3A_79 : vector<1152x18xi1>, vector<1152x18xi32>
    %reduce_min3A_81 = arith.constant dense<2147483647> : vector<1152xi32>
    %reduce_min3A_82 = vector.multi_reduction <minsi>, %select_n3A_80, %reduce_min3A_81 [1] : vector<1152x18xi32> to vector<1152xi32>
    %broadcast_in_dim3A_83 = vector.shape_cast %reduce_min3A_82 : vector<1152xi32> to vector<1152x1xi32>
    %eq3A_84 = vector.broadcast %broadcast_in_dim3A_83 : vector<1152x1xi32> to vector<1152x18xi32>
    %eq3A_85 = arith.cmpi eq, %iota3A_31, %eq3A_84 : vector<1152x18xi32>
    %convert_element_type3A_86 = arith.extui %eq3A_85 : vector<1152x18xi1> to vector<1152x18xi32>
    %convert_element_type3A_87 = arith.sitofp %convert_element_type3A_86 : vector<1152x18xi32> to vector<1152x18xf32>
    %convert_element_type3A_88 = arith.truncf %convert_element_type3A_87 : vector<1152x18xf32> to vector<1152x18xbf16>
    %slice3A_89 = vector.extract_strided_slice %dot_general3A_30 {offsets = [0, 27], sizes = [1152, 9], strides = [1, 1]} : vector<1152x36xf32> to vector<1152x9xf32>
    %neg3A_90 = arith.constant 0.000000e+00 : f32
    %neg3A_91 = vector.broadcast %neg3A_90 : f32 to vector<1152x9xf32>
    %neg3A_92 = arith.subf %neg3A_91, %slice3A_89 : vector<1152x9xf32>
    %concatenate3A_93 = tpu.concatenate %slice3A_89, %neg3A_92 in 1 : vector<1152x9xf32>, vector<1152x9xf32> -> vector<1152x18xf32>
    %reduce_max3A_94 = arith.constant dense<0xFF800000> : vector<1152xf32>
    %reduce_max3A_95 = vector.multi_reduction <maximumf>, %concatenate3A_93, %reduce_max3A_94 [1] : vector<1152x18xf32> to vector<1152xf32>
    %broadcast_in_dim3A_96 = vector.shape_cast %reduce_max3A_95 : vector<1152xf32> to vector<1152x1xf32>
    %eq3A_97 = vector.broadcast %broadcast_in_dim3A_96 : vector<1152x1xf32> to vector<1152x18xf32>
    %eq3A_98 = arith.cmpf oeq, %concatenate3A_93, %eq3A_97 : vector<1152x18xf32>
    %jit3A_99 = arith.constant 18 : i32
    %broadcast_in_dim3A_100 = vector.broadcast %jit3A_99 : i32 to vector<1152x18xi32>
    %select_n3A_101 = arith.select %eq3A_98, %iota3A_31, %broadcast_in_dim3A_100 : vector<1152x18xi1>, vector<1152x18xi32>
    %reduce_min3A_102 = arith.constant dense<2147483647> : vector<1152xi32>
    %reduce_min3A_103 = vector.multi_reduction <minsi>, %select_n3A_101, %reduce_min3A_102 [1] : vector<1152x18xi32> to vector<1152xi32>
    %broadcast_in_dim3A_104 = vector.shape_cast %reduce_min3A_103 : vector<1152xi32> to vector<1152x1xi32>
    %eq3A_105 = vector.broadcast %broadcast_in_dim3A_104 : vector<1152x1xi32> to vector<1152x18xi32>
    %eq3A_106 = arith.cmpi eq, %iota3A_31, %eq3A_105 : vector<1152x18xi32>
    %convert_element_type3A_107 = arith.extui %eq3A_106 : vector<1152x18xi1> to vector<1152x18xi32>
    %convert_element_type3A_108 = arith.sitofp %convert_element_type3A_107 : vector<1152x18xi32> to vector<1152x18xf32>
    %convert_element_type3A_109 = arith.truncf %convert_element_type3A_108 : vector<1152x18xf32> to vector<1152x18xbf16>
    %concatenate3A_110 = tpu.concatenate %convert_element_type3A_46, %convert_element_type3A_67, %convert_element_type3A_88, %convert_element_type3A_109 in 1 : vector<1152x18xbf16>, vector<1152x18xbf16>, vector<1152x18xbf16>, vector<1152x18xbf16> -> vector<1152x72xbf16>
    %iota3A_111 = tpu.iota {dimensions = array<i32: 0>} : vector<1152x1152xi32>
    %iota3A_112 = tpu.iota {dimensions = array<i32: 1>} : vector<1152x1152xi32>
    %le3A = arith.cmpi sle, %iota3A_112, %iota3A_111 : vector<1152x1152xi32>
    %convert_element_type3A_113 = arith.extui %le3A : vector<1152x1152xi1> to vector<1152x1152xi32>
    %convert_element_type3A_114 = arith.sitofp %convert_element_type3A_113 : vector<1152x1152xi32> to vector<1152x1152xf32>
    %convert_element_type3A_115 = arith.truncf %convert_element_type3A_114 : vector<1152x1152xf32> to vector<1152x1152xbf16>
    %dot_general3A_116 = arith.constant dense<0.000000e+00> : vector<1152x72xf32>
    %dot_general3A_117 = tpu.matmul %convert_element_type3A_115, %concatenate3A_110, %dot_general3A_116 {dimension_numbers = #tpu.dot_dimension_numbers<[1], [0], [0], [1], [0, 0, 1, 1], [], []>, transpose_lhs_hint = false} : vector<1152x1152xbf16>, vector<1152x72xbf16>, vector<1152x72xf32> -> vector<1152x72xf32>
    %slice3A_118 = vector.extract_strided_slice %dot_general3A_117 {offsets = [1151, 0], sizes = [1, 72], strides = [1, 1]} : vector<1152x72xf32> to vector<1x72xf32>
    %iota3A_119 = tpu.iota {dimensions = array<i32: 0>} : vector<72x72xi32>
    %iota3A_120 = tpu.iota {dimensions = array<i32: 1>} : vector<72x72xi32>
    %lt3A_121 = arith.cmpi slt, %iota3A_119, %iota3A_120 : vector<72x72xi32>
    %convert_element_type3A_122 = arith.extui %lt3A_121 : vector<72x72xi1> to vector<72x72xi32>
    %convert_element_type3A_123 = arith.sitofp %convert_element_type3A_122 : vector<72x72xi32> to vector<72x72xf32>
    %dot_general3A_124 = arith.constant dense<0.000000e+00> : vector<1x72xf32>
    %dot_general3A_125 = tpu.matmul %slice3A_118, %convert_element_type3A_123, %dot_general3A_124 {dimension_numbers = #tpu.dot_dimension_numbers<[1], [0], [0], [1], [0, 0, 1, 1], [], []>, transpose_lhs_hint = false} : vector<1x72xf32>, vector<72x72xf32>, vector<1x72xf32> -> vector<1x72xf32>
    %convert_element_type3A_126 = arith.extf %concatenate3A_110 : vector<1152x72xbf16> to vector<1152x72xf32>
    %add3A = vector.broadcast %dot_general3A_125 : vector<1x72xf32> to vector<1152x72xf32>
    %add3A_127 = arith.addf %dot_general3A_117, %add3A : vector<1152x72xf32>
    %mul3A = arith.mulf %add3A_127, %convert_element_type3A_126 : vector<1152x72xf32>
    %slice3A_128 = vector.extract_strided_slice %mul3A {offsets = [0, 0], sizes = [1152, 18], strides = [1, 1]} : vector<1152x72xf32> to vector<1152x18xf32>
    %reduce_sum3A = arith.constant dense<0.000000e+00> : vector<1152xf32>
    %reduce_sum3A_129 = vector.multi_reduction <add>, %slice3A_128, %reduce_sum3A [1] : vector<1152x18xf32> to vector<1152xf32>
    %broadcast_in_dim3A_130 = vector.shape_cast %reduce_sum3A_129 : vector<1152xf32> to vector<1152x1xf32>
    %sub3A = arith.constant 1.000000e+00 : f32
    %sub3A_131 = vector.broadcast %sub3A : f32 to vector<1152x1xf32>
    %sub3A_132 = arith.subf %broadcast_in_dim3A_130, %sub3A_131 : vector<1152x1xf32>
    %convert_element_type3A_133 = arith.fptosi %sub3A_132 : vector<1152x1xf32> to vector<1152x1xi32>
    %transpose3A = tpu.transpose %convert_element_type3A_133, [1, 0] : vector<1152x1xi32> -> vector<1x1152xi32>
    %swap3A_134 = arith.constant 0 : index
    %swap3A_135 = arith.constant 0 : index
    %swap3A_136 = arith.constant 0 : index
    %swap3A_137 = vector.load %arg7[%swap3A_134, %swap3A_135, %swap3A_136] : memref<1x1x4608xi32, #tpu.memory_space<vmem>>, vector<1x1x1152xi32>
    %swap3A_138 = vector.shape_cast %swap3A_137 : vector<1x1x1152xi32> to vector<1x1152xi32>
    %swap3A_139 = vector.shape_cast %transpose3A : vector<1x1152xi32> to vector<1x1x1152xi32>
    tpu.vector_store %arg7[%swap3A_134, %swap3A_135, %swap3A_136], %swap3A_139 {strides = array<i32>} : memref<1x1x4608xi32, #tpu.memory_space<vmem>>, vector<1x1x1152xi32>,
    %slice3A_140 = vector.extract_strided_slice %mul3A {offsets = [0, 18], sizes = [1152, 18], strides = [1, 1]} : vector<1152x72xf32> to vector<1152x18xf32>
    %reduce_sum3A_141 = arith.constant dense<0.000000e+00> : vector<1152xf32>
    %reduce_sum3A_142 = vector.multi_reduction <add>, %slice3A_140, %reduce_sum3A_141 [1] : vector<1152x18xf32> to vector<1152xf32>
    %broadcast_in_dim3A_143 = vector.shape_cast %reduce_sum3A_142 : vector<1152xf32> to vector<1152x1xf32>
    %sub3A_144 = arith.constant 1.000000e+00 : f32
    %sub3A_145 = vector.broadcast %sub3A_144 : f32 to vector<1152x1xf32>
    %sub3A_146 = arith.subf %broadcast_in_dim3A_143, %sub3A_145 : vector<1152x1xf32>
    %convert_element_type3A_147 = arith.fptosi %sub3A_146 : vector<1152x1xf32> to vector<1152x1xi32>
    %transpose3A_148 = tpu.transpose %convert_element_type3A_147, [1, 0] : vector<1152x1xi32> -> vector<1x1152xi32>
    %swap3A_149 = arith.constant 0 : index
    %swap3A_150 = arith.constant 0 : index
    %swap3A_151 = arith.constant 1152 : index
    %swap3A_152 = vector.load %arg7[%swap3A_149, %swap3A_150, %swap3A_151] : memref<1x1x4608xi32, #tpu.memory_space<vmem>>, vector<1x1x1152xi32>
    %swap3A_153 = vector.shape_cast %swap3A_152 : vector<1x1x1152xi32> to vector<1x1152xi32>
    %swap3A_154 = vector.shape_cast %transpose3A_148 : vector<1x1152xi32> to vector<1x1x1152xi32>
    tpu.vector_store %arg7[%swap3A_149, %swap3A_150, %swap3A_151], %swap3A_154 {strides = array<i32>} : memref<1x1x4608xi32, #tpu.memory_space<vmem>>, vector<1x1x1152xi32>,
    %slice3A_155 = vector.extract_strided_slice %mul3A {offsets = [0, 36], sizes = [1152, 18], strides = [1, 1]} : vector<1152x72xf32> to vector<1152x18xf32>
    %reduce_sum3A_156 = arith.constant dense<0.000000e+00> : vector<1152xf32>
    %reduce_sum3A_157 = vector.multi_reduction <add>, %slice3A_155, %reduce_sum3A_156 [1] : vector<1152x18xf32> to vector<1152xf32>
    %broadcast_in_dim3A_158 = vector.shape_cast %reduce_sum3A_157 : vector<1152xf32> to vector<1152x1xf32>
    %sub3A_159 = arith.constant 1.000000e+00 : f32
    %sub3A_160 = vector.broadcast %sub3A_159 : f32 to vector<1152x1xf32>
    %sub3A_161 = arith.subf %broadcast_in_dim3A_158, %sub3A_160 : vector<1152x1xf32>
    %convert_element_type3A_162 = arith.fptosi %sub3A_161 : vector<1152x1xf32> to vector<1152x1xi32>
    %transpose3A_163 = tpu.transpose %convert_element_type3A_162, [1, 0] : vector<1152x1xi32> -> vector<1x1152xi32>
    %swap3A_164 = arith.constant 0 : index
    %swap3A_165 = arith.constant 0 : index
    %swap3A_166 = arith.constant 2304 : index
    %swap3A_167 = vector.load %arg7[%swap3A_164, %swap3A_165, %swap3A_166] : memref<1x1x4608xi32, #tpu.memory_space<vmem>>, vector<1x1x1152xi32>
    %swap3A_168 = vector.shape_cast %swap3A_167 : vector<1x1x1152xi32> to vector<1x1152xi32>
    %swap3A_169 = vector.shape_cast %transpose3A_163 : vector<1x1152xi32> to vector<1x1x1152xi32>
    tpu.vector_store %arg7[%swap3A_164, %swap3A_165, %swap3A_166], %swap3A_169 {strides = array<i32>} : memref<1x1x4608xi32, #tpu.memory_space<vmem>>, vector<1x1x1152xi32>,
    %slice3A_170 = vector.extract_strided_slice %mul3A {offsets = [0, 54], sizes = [1152, 18], strides = [1, 1]} : vector<1152x72xf32> to vector<1152x18xf32>
    %reduce_sum3A_171 = arith.constant dense<0.000000e+00> : vector<1152xf32>
    %reduce_sum3A_172 = vector.multi_reduction <add>, %slice3A_170, %reduce_sum3A_171 [1] : vector<1152x18xf32> to vector<1152xf32>
    %broadcast_in_dim3A_173 = vector.shape_cast %reduce_sum3A_172 : vector<1152xf32> to vector<1152x1xf32>
    %sub3A_174 = arith.constant 1.000000e+00 : f32
    %sub3A_175 = vector.broadcast %sub3A_174 : f32 to vector<1152x1xf32>
    %sub3A_176 = arith.subf %broadcast_in_dim3A_173, %sub3A_175 : vector<1152x1xf32>
    %convert_element_type3A_177 = arith.fptosi %sub3A_176 : vector<1152x1xf32> to vector<1152x1xi32>
    %transpose3A_178 = tpu.transpose %convert_element_type3A_177, [1, 0] : vector<1152x1xi32> -> vector<1x1152xi32>
    %swap3A_179 = arith.constant 0 : index
    %swap3A_180 = arith.constant 0 : index
    %swap3A_181 = arith.constant 3456 : index
    %swap3A_182 = vector.load %arg7[%swap3A_179, %swap3A_180, %swap3A_181] : memref<1x1x4608xi32, #tpu.memory_space<vmem>>, vector<1x1x1152xi32>
    %swap3A_183 = vector.shape_cast %swap3A_182 : vector<1x1x1152xi32> to vector<1x1152xi32>
    %swap3A_184 = vector.shape_cast %transpose3A_178 : vector<1x1152xi32> to vector<1x1x1152xi32>
    tpu.vector_store %arg7[%swap3A_179, %swap3A_180, %swap3A_181], %swap3A_184 {strides = array<i32>} : memref<1x1x4608xi32, #tpu.memory_space<vmem>>, vector<1x1x1152xi32>,
    return
  }
  func.func @transform_0(%arg0: i32, %arg1: i32) -> (i32, i32, i32) {
    %c0_i32 = arith.constant 0 : i32
    %c0_i32_0 = arith.constant 0 : i32
    %c0_i32_1 = arith.constant 0 : i32
    return %arg0, %c0_i32, %c0_i32_0 : i32, i32, i32
  }
  func.func @transform_1(%arg0: i32, %arg1: i32) -> (i32, i32, i32) {
    %c0_i32 = arith.constant 0 : i32
    %c0_i32_0 = arith.constant 0 : i32
    %c0_i32_1 = arith.constant 0 : i32
    return %arg1, %c0_i32, %c0_i32_0 : i32, i32, i32
  }
  func.func @transform_2(%arg0: i32, %arg1: i32) -> (i32, i32, i32) {
    %c0_i32 = arith.constant 0 : i32
    %c0_i32_0 = arith.constant 0 : i32
    %c0_i32_1 = arith.constant 0 : i32
    return %arg1, %c0_i32, %c0_i32_0 : i32, i32, i32
  }
  func.func @transform_3(%arg0: i32, %arg1: i32) -> (i32, i32) {
    %c0_i32 = arith.constant 0 : i32
    %c0_i32_0 = arith.constant 0 : i32
    %c0_i32_1 = arith.constant 0 : i32
    return %c0_i32, %c0_i32_0 : i32, i32
  }
  func.func @transform_4(%arg0: i32, %arg1: i32) -> (i32, i32, i32) {
    %mul3A = arith.constant 12 : i32
    %mul3A_0 = arith.muli %arg0, %mul3A : i32
    %add3A = arith.addi %mul3A_0, %arg1 : i32
    %c0_i32 = arith.constant 0 : i32
    %c0_i32_1 = arith.constant 0 : i32
    %c0_i32_2 = arith.constant 0 : i32
    return %add3A, %c0_i32, %c0_i32_1 : i32, i32, i32
  }
  func.func @transform_5(%arg0: i32, %arg1: i32) -> (i32, i32, i32) {
    %mul3A = arith.constant 12 : i32
    %mul3A_0 = arith.muli %arg0, %mul3A : i32
    %add3A = arith.addi %mul3A_0, %arg1 : i32
    %c0_i32 = arith.constant 0 : i32
    %c0_i32_1 = arith.constant 0 : i32
    %c0_i32_2 = arith.constant 0 : i32
    return %add3A, %c0_i32, %c0_i32_1 : i32, i32, i32
  }
}

module attributes {stable_mosaic.version = 14 : i64} {
  func.func @_attn_krn(%arg0: i32, %arg1: memref<1x72x64x128xf32, #tpu.memory_space<vmem>>, %arg2: memref<1x72x1x64xf32, #tpu.memory_space<vmem>>, %arg3: memref<1x72x64x128xf32, #tpu.memory_space<vmem>>) attributes {dimension_semantics = [#tpu.dimension_semantics<parallel>], iteration_bounds = array<i64: 48>, scalar_prefetch = 0 : i64, scratch_operands = 0 : i64, tpu.core_type = #tpu.core_type<tc>, window_params = [{transform_indices = @transform_0, window_bounds = array<i64: 1, 72, 64, 128>}, {transform_indices = @transform_1, window_bounds = array<i64: 1, 72, 1, 64>}, {transform_indices = @transform_2, window_bounds = array<i64: 1, 72, 64, 128>}]} {
    %scan3A = arith.constant 0 : i32
    %scan3A_0 = arith.constant 72 : i32
    %scan3A_1 = arith.addi %scan3A, %scan3A_0 : i32
    %scan3A_2 = arith.constant 1 : i32
    scf.for %scan3A_4 = %scan3A to %scan3A_1 step %scan3A_2  : i32 {
      %eq3A = arith.constant 0 : i32
      %eq3A_5 = arith.cmpi eq, %scan3A_4, %eq3A : i32
      %sub3A = arith.constant 1 : i32
      %sub3A_6 = arith.subi %scan3A_4, %sub3A : i32
      %jit3A = arith.constant 71 : i32
      %select_n3A = arith.select %eq3A_5, %jit3A, %sub3A_6 : i32
      %get3A = arith.constant 0 : index
      %get3A_7 = arith.index_cast %scan3A_4 : i32 to index
      %get3A_8 = arith.constant 0 : index
      %get3A_9 = arith.constant 0 : index
      %get3A_10 = vector.load %arg1[%get3A, %get3A_7, %get3A_8, %get3A_9] : memref<1x72x64x128xf32, #tpu.memory_space<vmem>>, vector<1x1x64x128xf32>
      %get3A_11 = vector.shape_cast %get3A_10 : vector<1x1x64x128xf32> to vector<64x128xf32>
      %get3A_12 = arith.constant 0 : index
      %get3A_13 = arith.index_cast %select_n3A : i32 to index
      %get3A_14 = arith.constant 0 : index
      %get3A_15 = arith.constant 0 : index
      %get3A_16 = vector.load %arg1[%get3A_12, %get3A_13, %get3A_14, %get3A_15] : memref<1x72x64x128xf32, #tpu.memory_space<vmem>>, vector<1x1x64x128xf32>
      %get3A_17 = vector.shape_cast %get3A_16 : vector<1x1x64x128xf32> to vector<64x128xf32>
      %slice3A = vector.extract_strided_slice %get3A_11 {offsets = [0, 0], sizes = [64, 64], strides = [1, 1]} : vector<64x128xf32> to vector<64x64xf32>
      %slice3A_18 = vector.extract_strided_slice %get3A_11 {offsets = [0, 0], sizes = [64, 64], strides = [1, 1]} : vector<64x128xf32> to vector<64x64xf32>
      %mul3A = arith.mulf %slice3A_18, %slice3A_18 : vector<64x64xf32>
      %reduce_sum3A = arith.constant dense<0.000000e+00> : vector<64xf32>
      %reduce_sum3A_19 = vector.multi_reduction <add>, %mul3A, %reduce_sum3A [1] : vector<64x64xf32> to vector<64xf32>
      %broadcast_in_dim3A = vector.shape_cast %reduce_sum3A_19 : vector<64xf32> to vector<64x1xf32>
      %sqrt3A = math.sqrt %broadcast_in_dim3A : vector<64x1xf32>
      %max3A = arith.constant 9.99999971E-10 : f32
      %max3A_20 = vector.broadcast %max3A : f32 to vector<64x1xf32>
      %max3A_21 = arith.maximumf %sqrt3A, %max3A_20 : vector<64x1xf32>
      %div3A = vector.broadcast %max3A_21 : vector<64x1xf32> to vector<64x64xf32>
      %div3A_22 = arith.divf %slice3A_18, %div3A : vector<64x64xf32>
      %slice3A_23 = vector.extract_strided_slice %get3A_17 {offsets = [0, 0], sizes = [64, 64], strides = [1, 1]} : vector<64x128xf32> to vector<64x64xf32>
      %mul3A_24 = arith.mulf %slice3A_23, %slice3A_23 : vector<64x64xf32>
      %reduce_sum3A_25 = arith.constant dense<0.000000e+00> : vector<64xf32>
      %reduce_sum3A_26 = vector.multi_reduction <add>, %mul3A_24, %reduce_sum3A_25 [1] : vector<64x64xf32> to vector<64xf32>
      %broadcast_in_dim3A_27 = vector.shape_cast %reduce_sum3A_26 : vector<64xf32> to vector<64x1xf32>
      %sqrt3A_28 = math.sqrt %broadcast_in_dim3A_27 : vector<64x1xf32>
      %max3A_29 = arith.constant 9.99999971E-10 : f32
      %max3A_30 = vector.broadcast %max3A_29 : f32 to vector<64x1xf32>
      %max3A_31 = arith.maximumf %sqrt3A_28, %max3A_30 : vector<64x1xf32>
      %div3A_32 = vector.broadcast %max3A_31 : vector<64x1xf32> to vector<64x64xf32>
      %div3A_33 = arith.divf %slice3A_23, %div3A_32 : vector<64x64xf32>
      %concatenate3A = tpu.concatenate %div3A_22, %div3A_33 in 0 : vector<64x64xf32>, vector<64x64xf32> -> vector<128x64xf32>
      %slice3A_34 = vector.extract_strided_slice %get3A_11 {offsets = [0, 64], sizes = [64, 64], strides = [1, 1]} : vector<64x128xf32> to vector<64x64xf32>
      %slice3A_35 = vector.extract_strided_slice %get3A_17 {offsets = [0, 64], sizes = [64, 64], strides = [1, 1]} : vector<64x128xf32> to vector<64x64xf32>
      %concatenate3A_36 = tpu.concatenate %slice3A_34, %slice3A_35 in 0 : vector<64x64xf32>, vector<64x64xf32> -> vector<128x64xf32>
      %dot_general3A = arith.constant dense<0.000000e+00> : vector<64x128xf32>
      %dot_general3A_37 = tpu.matmul %slice3A, %concatenate3A, %dot_general3A {dimension_numbers = #tpu.dot_dimension_numbers<[1], [1], [0], [0], [0, 0, 1, 0], [], []>, transpose_lhs_hint = false} : vector<64x64xf32>, vector<128x64xf32>, vector<64x128xf32> -> vector<64x128xf32>
      %mul3A_38 = arith.constant 1.250000e-01 : f32
      %mul3A_39 = vector.broadcast %mul3A_38 : f32 to vector<64x128xf32>
      %mul3A_40 = arith.mulf %dot_general3A_37, %mul3A_39 : vector<64x128xf32>
      %get3A_41 = arith.constant 0 : index
      %get3A_42 = arith.index_cast %scan3A_4 : i32 to index
      %get3A_43 = arith.constant 0 : index
      %get3A_44 = arith.constant 0 : index
      %get3A_45 = vector.load %arg2[%get3A_41, %get3A_42, %get3A_43, %get3A_44] : memref<1x72x1x64xf32, #tpu.memory_space<vmem>>, vector<1x1x1x64xf32>
      %get3A_46 = vector.shape_cast %get3A_45 : vector<1x1x1x64xf32> to vector<1x64xf32>
      %transpose3A = tpu.transpose %get3A_46, [1, 0] : vector<1x64xf32> -> vector<64x1xf32>
      %get3A_47 = arith.constant 0 : index
      %get3A_48 = arith.index_cast %scan3A_4 : i32 to index
      %get3A_49 = arith.constant 0 : index
      %get3A_50 = arith.constant 0 : index
      %get3A_51 = vector.load %arg2[%get3A_47, %get3A_48, %get3A_49, %get3A_50] : memref<1x72x1x64xf32, #tpu.memory_space<vmem>>, vector<1x1x1x64xf32>
      %get3A_52 = vector.shape_cast %get3A_51 : vector<1x1x1x64xf32> to vector<1x64xf32>
      %get3A_53 = arith.constant 0 : index
      %get3A_54 = arith.index_cast %select_n3A : i32 to index
      %get3A_55 = arith.constant 0 : index
      %get3A_56 = arith.constant 0 : index
      %get3A_57 = vector.load %arg2[%get3A_53, %get3A_54, %get3A_55, %get3A_56] : memref<1x72x1x64xf32, #tpu.memory_space<vmem>>, vector<1x1x1x64xf32>
      %get3A_58 = vector.shape_cast %get3A_57 : vector<1x1x1x64xf32> to vector<1x64xf32>
      %concatenate3A_59 = tpu.concatenate %get3A_52, %get3A_58 in 1 : vector<1x64xf32>, vector<1x64xf32> -> vector<1x128xf32>
      %eq3A_60 = vector.broadcast %transpose3A : vector<64x1xf32> to vector<64x128xf32>
      %eq3A_61 = vector.broadcast %concatenate3A_59 : vector<1x128xf32> to vector<64x128xf32>
      %eq3A_62 = arith.cmpf oeq, %eq3A_60, %eq3A_61 : vector<64x128xf32>
      %jit3A_63 = arith.constant -5.000000e+04 : f32
      %broadcast_in_dim3A_64 = vector.broadcast %jit3A_63 : f32 to vector<64x128xf32>
      %select_n3A_65 = arith.select %eq3A_62, %broadcast_in_dim3A_64, %mul3A_40 : vector<64x128xi1>, vector<64x128xf32>
      %reduce_max3A = arith.constant dense<0xFF800000> : vector<64xf32>
      %reduce_max3A_66 = vector.multi_reduction <maximumf>, %select_n3A_65, %reduce_max3A [1] : vector<64x128xf32> to vector<64xf32>
      %broadcast_in_dim3A_67 = vector.shape_cast %reduce_max3A_66 : vector<64xf32> to vector<64x1xf32>
      %sub3A_68 = vector.broadcast %broadcast_in_dim3A_67 : vector<64x1xf32> to vector<64x128xf32>
      %sub3A_69 = arith.subf %select_n3A_65, %sub3A_68 : vector<64x128xf32>
      %exp3A = math.exp %sub3A_69 : vector<64x128xf32>
      %reduce_sum3A_70 = arith.constant dense<0.000000e+00> : vector<64xf32>
      %reduce_sum3A_71 = vector.multi_reduction <add>, %exp3A, %reduce_sum3A_70 [1] : vector<64x128xf32> to vector<64xf32>
      %broadcast_in_dim3A_72 = vector.shape_cast %reduce_sum3A_71 : vector<64xf32> to vector<64x1xf32>
      %log3A = math.log %broadcast_in_dim3A_72 : vector<64x1xf32>
      %add3A = arith.addf %broadcast_in_dim3A_67, %log3A : vector<64x1xf32>
      %div3A_73 = vector.broadcast %broadcast_in_dim3A_72 : vector<64x1xf32> to vector<64x128xf32>
      %div3A_74 = arith.divf %exp3A, %div3A_73 : vector<64x128xf32>
      %dot_general3A_75 = arith.constant dense<0.000000e+00> : vector<64x64xf32>
      %dot_general3A_76 = tpu.matmul %div3A_74, %concatenate3A_36, %dot_general3A_75 {dimension_numbers = #tpu.dot_dimension_numbers<[1], [0], [0], [1], [0, 0, 1, 1], [], []>, transpose_lhs_hint = false} : vector<64x128xf32>, vector<128x64xf32>, vector<64x64xf32> -> vector<64x64xf32>
      %broadcast_in_dim3A_77 = vector.shape_cast %add3A : vector<64x1xf32> to vector<64x1xf32>
      %broadcast_in_dim3A_78 = vector.broadcast %broadcast_in_dim3A_77 : vector<64x1xf32> to vector<64x64xf32>
      %concatenate3A_79 = tpu.concatenate %dot_general3A_76, %broadcast_in_dim3A_78 in 1 : vector<64x64xf32>, vector<64x64xf32> -> vector<64x128xf32>
      %swap3A = arith.constant 0 : index
      %swap3A_80 = arith.index_cast %scan3A_4 : i32 to index
      %swap3A_81 = arith.constant 0 : index
      %swap3A_82 = arith.constant 0 : index
      %swap3A_83 = vector.load %arg3[%swap3A, %swap3A_80, %swap3A_81, %swap3A_82] : memref<1x72x64x128xf32, #tpu.memory_space<vmem>>, vector<1x1x64x128xf32>
      %swap3A_84 = vector.shape_cast %swap3A_83 : vector<1x1x64x128xf32> to vector<64x128xf32>
      %swap3A_85 = vector.shape_cast %concatenate3A_79 : vector<64x128xf32> to vector<1x1x64x128xf32>
      tpu.vector_store %arg3[%swap3A, %swap3A_80, %swap3A_81, %swap3A_82], %swap3A_85 {strides = array<i32>} : memref<1x72x64x128xf32, #tpu.memory_space<vmem>>, vector<1x1x64x128xf32>,
    }
    %scan3A_3 = arith.constant 72 : i32
    return
  }
  func.func @transform_0(%arg0: i32) -> (i32, i32, i32, i32) {
    %c0_i32 = arith.constant 0 : i32
    %c0_i32_0 = arith.constant 0 : i32
    %c0_i32_1 = arith.constant 0 : i32
    %c0_i32_2 = arith.constant 0 : i32
    return %arg0, %c0_i32, %c0_i32_0, %c0_i32_1 : i32, i32, i32, i32
  }
  func.func @transform_1(%arg0: i32) -> (i32, i32, i32, i32) {
    %c0_i32 = arith.constant 0 : i32
    %c0_i32_0 = arith.constant 0 : i32
    %c0_i32_1 = arith.constant 0 : i32
    %c0_i32_2 = arith.constant 0 : i32
    return %arg0, %c0_i32, %c0_i32_0, %c0_i32_1 : i32, i32, i32, i32
  }
  func.func @transform_2(%arg0: i32) -> (i32, i32, i32, i32) {
    %c0_i32 = arith.constant 0 : i32
    %c0_i32_0 = arith.constant 0 : i32
    %c0_i32_1 = arith.constant 0 : i32
    %c0_i32_2 = arith.constant 0 : i32
    return %arg0, %c0_i32, %c0_i32_0, %c0_i32_1 : i32, i32, i32, i32
  }
}

module attributes {stable_mosaic.version = 14 : i64} {
  func.func @_comb_krn(%arg0: i32, %arg1: i32, %arg2: memref<1x1x4x1152x128xf32, #tpu.memory_space<vmem>>, %arg3: memref<1x1152x768xf32, #tpu.memory_space<vmem>>, %arg4: memref<64x768xf32, #tpu.memory_space<vmem>>, %arg5: memref<1x768xf32, #tpu.memory_space<vmem>>, %arg6: memref<1x1152x768xf32, #tpu.memory_space<vmem>>) attributes {dimension_semantics = [#tpu.dimension_semantics<parallel>, #tpu.dimension_semantics<arbitrary>], iteration_bounds = array<i64: 4, 12>, scalar_prefetch = 0 : i64, scratch_operands = 0 : i64, tpu.core_type = #tpu.core_type<tc>, window_params = [{transform_indices = @transform_0, window_bounds = array<i64: 1, 1, 4, 1152, 128>}, {transform_indices = @transform_1, window_bounds = array<i64: 1, 1152, 768>}, {transform_indices = @transform_2, window_bounds = array<i64: 64, 768>}, {pipeline_mode = #tpu.pipeline_mode<synchronous>, transform_indices = @transform_3, window_bounds = array<i64: 1, 768>}, {transform_indices = @transform_4, window_bounds = array<i64: 1, 1152, 768>}]} {
    %get3A = arith.constant 0 : index
    %get3A_0 = arith.constant 0 : index
    %get3A_1 = arith.constant 0 : index
    %get3A_2 = arith.constant 0 : index
    %get3A_3 = arith.constant 0 : index
    %get3A_4 = vector.load %arg2[%get3A, %get3A_0, %get3A_1, %get3A_2, %get3A_3] : memref<1x1x4x1152x128xf32, #tpu.memory_space<vmem>>, vector<1x1x4x1152x128xf32>
    %get3A_5 = vector.shape_cast %get3A_4 : vector<1x1x4x1152x128xf32> to vector<4x1152x128xf32>
    %slice3A = vector.extract_strided_slice %get3A_5 {offsets = [0, 0, 0], sizes = [4, 1152, 64], strides = [1, 1, 1]} : vector<4x1152x128xf32> to vector<4x1152x64xf32>
    %slice3A_6 = vector.extract_strided_slice %get3A_5 {offsets = [0, 0, 64], sizes = [4, 1152, 1], strides = [1, 1, 1]} : vector<4x1152x128xf32> to vector<4x1152x1xf32>
    %reduce_max3A = arith.constant dense<0xFF800000> : vector<1152x1xf32>
    %reduce_max3A_7 = vector.multi_reduction <maximumf>, %slice3A_6, %reduce_max3A [0] : vector<4x1152x1xf32> to vector<1152x1xf32>
    %broadcast_in_dim3A = vector.shape_cast %reduce_max3A_7 : vector<1152x1xf32> to vector<1x1152x1xf32>
    %sub3A = vector.broadcast %broadcast_in_dim3A : vector<1x1152x1xf32> to vector<4x1152x1xf32>
    %sub3A_8 = arith.subf %slice3A_6, %sub3A : vector<4x1152x1xf32>
    %exp3A = math.exp %sub3A_8 : vector<4x1152x1xf32>
    %reduce_sum3A = arith.constant dense<0.000000e+00> : vector<1152x1xf32>
    %reduce_sum3A_9 = vector.multi_reduction <add>, %exp3A, %reduce_sum3A [0] : vector<4x1152x1xf32> to vector<1152x1xf32>
    %broadcast_in_dim3A_10 = vector.shape_cast %reduce_sum3A_9 : vector<1152x1xf32> to vector<1x1152x1xf32>
    %div3A = vector.broadcast %broadcast_in_dim3A_10 : vector<1x1152x1xf32> to vector<4x1152x1xf32>
    %div3A_11 = arith.divf %exp3A, %div3A : vector<4x1152x1xf32>
    %mul3A = vector.broadcast %div3A_11 : vector<4x1152x1xf32> to vector<4x1152x64xf32>
    %mul3A_12 = arith.mulf %slice3A, %mul3A : vector<4x1152x64xf32>
    %reduce_sum3A_13 = arith.constant dense<0.000000e+00> : vector<1152x64xf32>
    %reduce_sum3A_14 = vector.multi_reduction <add>, %mul3A_12, %reduce_sum3A_13 [0] : vector<4x1152x64xf32> to vector<1152x64xf32>
    %get3A_15 = arith.constant 0 : index
    %get3A_16 = arith.constant 0 : index
    %get3A_17 = vector.load %arg4[%get3A_15, %get3A_16] : memref<64x768xf32, #tpu.memory_space<vmem>>, vector<64x768xf32>
    %dot_general3A = arith.constant dense<0.000000e+00> : vector<1152x768xf32>
    %dot_general3A_18 = tpu.matmul %reduce_sum3A_14, %get3A_17, %dot_general3A {dimension_numbers = #tpu.dot_dimension_numbers<[1], [0], [0], [1], [0, 0, 1, 1], [], []>, transpose_lhs_hint = false} : vector<1152x64xf32>, vector<64x768xf32>, vector<1152x768xf32> -> vector<1152x768xf32>
    %iota3A = tpu.iota {dimensions = array<i32: 0>} : vector<1152x1xi32>
    %lt3A = arith.constant 1028 : i32
    %lt3A_19 = vector.broadcast %lt3A : i32 to vector<1152x1xi32>
    %lt3A_20 = arith.cmpi slt, %iota3A, %lt3A_19 : vector<1152x1xi32>
    %eq3A = arith.constant 0 : i32
    %eq3A_21 = arith.cmpi eq, %arg1, %eq3A : i32
    %convert_element_type3A = arith.extui %eq3A_21 : i1 to i32
    %cond3A = arith.constant 0 : i32
    %cond3A_22 = arith.cmpi ne, %convert_element_type3A, %cond3A : i32
    scf.if %cond3A_22 {
      %get3A_27 = arith.constant 0 : index
      %get3A_28 = arith.constant 0 : index
      %get3A_29 = arith.constant 0 : index
      %get3A_30 = vector.load %arg3[%get3A_27, %get3A_28, %get3A_29] : memref<1x1152x768xf32, #tpu.memory_space<vmem>>, vector<1x1152x768xf32>
      %get3A_31 = vector.shape_cast %get3A_30 : vector<1x1152x768xf32> to vector<1152x768xf32>
      %get3A_32 = arith.constant 0 : index
      %get3A_33 = arith.constant 0 : index
      %get3A_34 = vector.load %arg5[%get3A_32, %get3A_33] : memref<1x768xf32, #tpu.memory_space<vmem>>, vector<1x768xf32>
      %add3A = vector.broadcast %get3A_34 : vector<1x768xf32> to vector<1152x768xf32>
      %add3A_35 = arith.addf %dot_general3A_18, %add3A : vector<1152x768xf32>
      %jit3A = arith.constant 0.000000e+00 : f32
      %broadcast_in_dim3A_36 = vector.shape_cast %lt3A_20 : vector<1152x1xi1> to vector<1152x1xi1>
      %broadcast_in_dim3A_37 = vector.broadcast %broadcast_in_dim3A_36 : vector<1152x1xi1> to vector<1152x768xi1>
      %broadcast_in_dim3A_38 = vector.broadcast %jit3A : f32 to vector<1152x768xf32>
      %select_n3A = arith.select %broadcast_in_dim3A_37, %add3A_35, %broadcast_in_dim3A_38 : vector<1152x768xi1>, vector<1152x768xf32>
      %add3A_39 = arith.addf %get3A_31, %select_n3A : vector<1152x768xf32>
      %swap3A = arith.constant 0 : index
      %swap3A_40 = arith.constant 0 : index
      %swap3A_41 = arith.constant 0 : index
      %swap3A_42 = vector.load %arg6[%swap3A, %swap3A_40, %swap3A_41] : memref<1x1152x768xf32, #tpu.memory_space<vmem>>, vector<1x1152x768xf32>
      %swap3A_43 = vector.shape_cast %swap3A_42 : vector<1x1152x768xf32> to vector<1152x768xf32>
      %swap3A_44 = vector.shape_cast %add3A_39 : vector<1152x768xf32> to vector<1x1152x768xf32>
      tpu.vector_store %arg6[%swap3A, %swap3A_40, %swap3A_41], %swap3A_44 {strides = array<i32>} : memref<1x1152x768xf32, #tpu.memory_space<vmem>>, vector<1x1152x768xf32>,
    } else {
    }
    %ne3A = arith.constant 0 : i32
    %ne3A_23 = arith.cmpi ne, %arg1, %ne3A : i32
    %convert_element_type3A_24 = arith.extui %ne3A_23 : i1 to i32
    %cond3A_25 = arith.constant 0 : i32
    %cond3A_26 = arith.cmpi ne, %convert_element_type3A_24, %cond3A_25 : i32
    scf.if %cond3A_26 {
      %get3A_27 = arith.constant 0 : index
      %get3A_28 = arith.constant 0 : index
      %get3A_29 = arith.constant 0 : index
      %get3A_30 = vector.load %arg6[%get3A_27, %get3A_28, %get3A_29] : memref<1x1152x768xf32, #tpu.memory_space<vmem>>, vector<1x1152x768xf32>
      %get3A_31 = vector.shape_cast %get3A_30 : vector<1x1152x768xf32> to vector<1152x768xf32>
      %jit3A = arith.constant 0.000000e+00 : f32
      %broadcast_in_dim3A_32 = vector.shape_cast %lt3A_20 : vector<1152x1xi1> to vector<1152x1xi1>
      %broadcast_in_dim3A_33 = vector.broadcast %broadcast_in_dim3A_32 : vector<1152x1xi1> to vector<1152x768xi1>
      %broadcast_in_dim3A_34 = vector.broadcast %jit3A : f32 to vector<1152x768xf32>
      %select_n3A = arith.select %broadcast_in_dim3A_33, %dot_general3A_18, %broadcast_in_dim3A_34 : vector<1152x768xi1>, vector<1152x768xf32>
      %add3A = arith.addf %get3A_31, %select_n3A : vector<1152x768xf32>
      %swap3A = arith.constant 0 : index
      %swap3A_35 = arith.constant 0 : index
      %swap3A_36 = arith.constant 0 : index
      %swap3A_37 = vector.load %arg6[%swap3A, %swap3A_35, %swap3A_36] : memref<1x1152x768xf32, #tpu.memory_space<vmem>>, vector<1x1152x768xf32>
      %swap3A_38 = vector.shape_cast %swap3A_37 : vector<1x1152x768xf32> to vector<1152x768xf32>
      %swap3A_39 = vector.shape_cast %add3A : vector<1152x768xf32> to vector<1x1152x768xf32>
      tpu.vector_store %arg6[%swap3A, %swap3A_35, %swap3A_36], %swap3A_39 {strides = array<i32>} : memref<1x1152x768xf32, #tpu.memory_space<vmem>>, vector<1x1152x768xf32>,
    } else {
    }
    return
  }
  func.func @transform_0(%arg0: i32, %arg1: i32) -> (i32, i32, i32, i32, i32) {
    %c0_i32 = arith.constant 0 : i32
    %c0_i32_0 = arith.constant 0 : i32
    %c0_i32_1 = arith.constant 0 : i32
    %c0_i32_2 = arith.constant 0 : i32
    return %arg0, %arg1, %c0_i32, %c0_i32_0, %c0_i32_1 : i32, i32, i32, i32, i32
  }
  func.func @transform_1(%arg0: i32, %arg1: i32) -> (i32, i32, i32) {
    %c0_i32 = arith.constant 0 : i32
    %c0_i32_0 = arith.constant 0 : i32
    %c0_i32_1 = arith.constant 0 : i32
    return %arg0, %c0_i32, %c0_i32_0 : i32, i32, i32
  }
  func.func @transform_2(%arg0: i32, %arg1: i32) -> (i32, i32) {
    %c0_i32 = arith.constant 0 : i32
    %c0_i32_0 = arith.constant 0 : i32
    return %arg1, %c0_i32 : i32, i32
  }
  func.func @transform_3(%arg0: i32, %arg1: i32) -> (i32, i32) {
    %c0_i32 = arith.constant 0 : i32
    %c0_i32_0 = arith.constant 0 : i32
    %c0_i32_1 = arith.constant 0 : i32
    return %c0_i32, %c0_i32_0 : i32, i32
  }
  func.func @transform_4(%arg0: i32, %arg1: i32) -> (i32, i32, i32) {
    %c0_i32 = arith.constant 0 : i32
    %c0_i32_0 = arith.constant 0 : i32
    %c0_i32_1 = arith.constant 0 : i32
    return %arg0, %c0_i32, %c0_i32_0 : i32, i32, i32
  }
}

module attributes {stable_mosaic.version = 14 : i64} {
  func.func @_ffn_krn(%arg0: i32, %arg1: memref<1x1152x768xf32, #tpu.memory_space<vmem>>, %arg2: memref<768x1024xf32, #tpu.memory_space<vmem>>, %arg3: memref<1x1024xf32, #tpu.memory_space<vmem>>, %arg4: memref<1024x768xf32, #tpu.memory_space<vmem>>, %arg5: memref<1x768xf32, #tpu.memory_space<vmem>>, %arg6: memref<1x768xf32, #tpu.memory_space<vmem>>, %arg7: memref<1x768xf32, #tpu.memory_space<vmem>>, %arg8: memref<1x768xf32, #tpu.memory_space<vmem>>, %arg9: memref<1x768xf32, #tpu.memory_space<vmem>>, %arg10: memref<1x1152x768xf32, #tpu.memory_space<vmem>>) attributes {dimension_semantics = [#tpu.dimension_semantics<parallel>], iteration_bounds = array<i64: 4>, scalar_prefetch = 0 : i64, scratch_operands = 0 : i64, tpu.core_type = #tpu.core_type<tc>, window_params = [{transform_indices = @transform_0, window_bounds = array<i64: 1, 1152, 768>}, {pipeline_mode = #tpu.pipeline_mode<synchronous>, transform_indices = @transform_1, window_bounds = array<i64: 768, 1024>}, {pipeline_mode = #tpu.pipeline_mode<synchronous>, transform_indices = @transform_2, window_bounds = array<i64: 1, 1024>}, {pipeline_mode = #tpu.pipeline_mode<synchronous>, transform_indices = @transform_3, window_bounds = array<i64: 1024, 768>}, {pipeline_mode = #tpu.pipeline_mode<synchronous>, transform_indices = @transform_4, window_bounds = array<i64: 1, 768>}, {pipeline_mode = #tpu.pipeline_mode<synchronous>, transform_indices = @transform_5, window_bounds = array<i64: 1, 768>}, {pipeline_mode = #tpu.pipeline_mode<synchronous>, transform_indices = @transform_6, window_bounds = array<i64: 1, 768>}, {pipeline_mode = #tpu.pipeline_mode<synchronous>, transform_indices = @transform_7, window_bounds = array<i64: 1, 768>}, {pipeline_mode = #tpu.pipeline_mode<synchronous>, transform_indices = @transform_8, window_bounds = array<i64: 1, 768>}, {transform_indices = @transform_9, window_bounds = array<i64: 1, 1152, 768>}]} {
    %get3A = arith.constant 0 : index
    %get3A_0 = arith.constant 0 : index
    %get3A_1 = arith.constant 0 : index
    %get3A_2 = vector.load %arg1[%get3A, %get3A_0, %get3A_1] : memref<1x1152x768xf32, #tpu.memory_space<vmem>>, vector<1x1152x768xf32>
    %get3A_3 = vector.shape_cast %get3A_2 : vector<1x1152x768xf32> to vector<1152x768xf32>
    %get3A_4 = arith.constant 0 : index
    %get3A_5 = arith.constant 0 : index
    %get3A_6 = vector.load %arg6[%get3A_4, %get3A_5] : memref<1x768xf32, #tpu.memory_space<vmem>>, vector<1x768xf32>
    %get3A_7 = arith.constant 0 : index
    %get3A_8 = arith.constant 0 : index
    %get3A_9 = vector.load %arg7[%get3A_7, %get3A_8] : memref<1x768xf32, #tpu.memory_space<vmem>>, vector<1x768xf32>
    %reduce_sum3A = arith.constant dense<0.000000e+00> : vector<1152xf32>
    %reduce_sum3A_10 = vector.multi_reduction <add>, %get3A_3, %reduce_sum3A [1] : vector<1152x768xf32> to vector<1152xf32>
    %broadcast_in_dim3A = vector.shape_cast %reduce_sum3A_10 : vector<1152xf32> to vector<1152x1xf32>
    %div3A = arith.constant 7.680000e+02 : f32
    %div3A_11 = vector.broadcast %div3A : f32 to vector<1152x1xf32>
    %div3A_12 = arith.divf %broadcast_in_dim3A, %div3A_11 : vector<1152x1xf32>
    %sub3A = vector.broadcast %div3A_12 : vector<1152x1xf32> to vector<1152x768xf32>
    %sub3A_13 = arith.subf %get3A_3, %sub3A : vector<1152x768xf32>
    %integer_pow3A = arith.mulf %sub3A_13, %sub3A_13 : vector<1152x768xf32>
    %reduce_sum3A_14 = arith.constant dense<0.000000e+00> : vector<1152xf32>
    %reduce_sum3A_15 = vector.multi_reduction <add>, %integer_pow3A, %reduce_sum3A_14 [1] : vector<1152x768xf32> to vector<1152xf32>
    %broadcast_in_dim3A_16 = vector.shape_cast %reduce_sum3A_15 : vector<1152xf32> to vector<1152x1xf32>
    %div3A_17 = arith.constant 7.680000e+02 : f32
    %div3A_18 = vector.broadcast %div3A_17 : f32 to vector<1152x1xf32>
    %div3A_19 = arith.divf %broadcast_in_dim3A_16, %div3A_18 : vector<1152x1xf32>
    %sub3A_20 = vector.broadcast %div3A_12 : vector<1152x1xf32> to vector<1152x768xf32>
    %sub3A_21 = arith.subf %get3A_3, %sub3A_20 : vector<1152x768xf32>
    %add3A = arith.constant 9.99999974E-6 : f32
    %add3A_22 = vector.broadcast %add3A : f32 to vector<1152x1xf32>
    %add3A_23 = arith.addf %div3A_19, %add3A_22 : vector<1152x1xf32>
    %rsqrt3A = math.rsqrt %add3A_23 : vector<1152x1xf32>
    %mul3A = vector.broadcast %rsqrt3A : vector<1152x1xf32> to vector<1152x768xf32>
    %mul3A_24 = arith.mulf %sub3A_21, %mul3A : vector<1152x768xf32>
    %mul3A_25 = vector.broadcast %get3A_6 : vector<1x768xf32> to vector<1152x768xf32>
    %mul3A_26 = arith.mulf %mul3A_24, %mul3A_25 : vector<1152x768xf32>
    %add3A_27 = vector.broadcast %get3A_9 : vector<1x768xf32> to vector<1152x768xf32>
    %add3A_28 = arith.addf %mul3A_26, %add3A_27 : vector<1152x768xf32>
    %get3A_29 = arith.constant 0 : index
    %get3A_30 = arith.constant 0 : index
    %get3A_31 = vector.load %arg2[%get3A_29, %get3A_30] : memref<768x1024xf32, #tpu.memory_space<vmem>>, vector<768x1024xf32>
    %dot_general3A = arith.constant dense<0.000000e+00> : vector<1152x1024xf32>
    %dot_general3A_32 = tpu.matmul %add3A_28, %get3A_31, %dot_general3A {dimension_numbers = #tpu.dot_dimension_numbers<[1], [0], [0], [1], [0, 0, 1, 1], [], []>, transpose_lhs_hint = false} : vector<1152x768xf32>, vector<768x1024xf32>, vector<1152x1024xf32> -> vector<1152x1024xf32>
    %get3A_33 = arith.constant 0 : index
    %get3A_34 = arith.constant 0 : index
    %get3A_35 = vector.load %arg3[%get3A_33, %get3A_34] : memref<1x1024xf32, #tpu.memory_space<vmem>>, vector<1x1024xf32>
    %add3A_36 = vector.broadcast %get3A_35 : vector<1x1024xf32> to vector<1152x1024xf32>
    %add3A_37 = arith.addf %dot_general3A_32, %add3A_36 : vector<1152x1024xf32>
    %mul3A_38 = arith.constant 5.000000e-01 : f32
    %mul3A_39 = vector.broadcast %mul3A_38 : f32 to vector<1152x1024xf32>
    %mul3A_40 = arith.mulf %mul3A_39, %add3A_37 : vector<1152x1024xf32>
    %mul3A_41 = arith.constant 0.707106769 : f32
    %mul3A_42 = vector.broadcast %mul3A_41 : f32 to vector<1152x1024xf32>
    %mul3A_43 = arith.mulf %add3A_37, %mul3A_42 : vector<1152x1024xf32>
    %erf3A = math.erf %mul3A_43 : vector<1152x1024xf32>
    %add3A_44 = arith.constant 1.000000e+00 : f32
    %add3A_45 = vector.broadcast %add3A_44 : f32 to vector<1152x1024xf32>
    %add3A_46 = arith.addf %add3A_45, %erf3A : vector<1152x1024xf32>
    %mul3A_47 = arith.mulf %mul3A_40, %add3A_46 : vector<1152x1024xf32>
    %get3A_48 = arith.constant 0 : index
    %get3A_49 = arith.constant 0 : index
    %get3A_50 = vector.load %arg4[%get3A_48, %get3A_49] : memref<1024x768xf32, #tpu.memory_space<vmem>>, vector<1024x768xf32>
    %dot_general3A_51 = arith.constant dense<0.000000e+00> : vector<1152x768xf32>
    %dot_general3A_52 = tpu.matmul %mul3A_47, %get3A_50, %dot_general3A_51 {dimension_numbers = #tpu.dot_dimension_numbers<[1], [0], [0], [1], [0, 0, 1, 1], [], []>, transpose_lhs_hint = false} : vector<1152x1024xf32>, vector<1024x768xf32>, vector<1152x768xf32> -> vector<1152x768xf32>
    %get3A_53 = arith.constant 0 : index
    %get3A_54 = arith.constant 0 : index
    %get3A_55 = vector.load %arg5[%get3A_53, %get3A_54] : memref<1x768xf32, #tpu.memory_space<vmem>>, vector<1x768xf32>
    %add3A_56 = vector.broadcast %get3A_55 : vector<1x768xf32> to vector<1152x768xf32>
    %add3A_57 = arith.addf %dot_general3A_52, %add3A_56 : vector<1152x768xf32>
    %add3A_58 = arith.addf %add3A_28, %add3A_57 : vector<1152x768xf32>
    %get3A_59 = arith.constant 0 : index
    %get3A_60 = arith.constant 0 : index
    %get3A_61 = vector.load %arg8[%get3A_59, %get3A_60] : memref<1x768xf32, #tpu.memory_space<vmem>>, vector<1x768xf32>
    %get3A_62 = arith.constant 0 : index
    %get3A_63 = arith.constant 0 : index
    %get3A_64 = vector.load %arg9[%get3A_62, %get3A_63] : memref<1x768xf32, #tpu.memory_space<vmem>>, vector<1x768xf32>
    %reduce_sum3A_65 = arith.constant dense<0.000000e+00> : vector<1152xf32>
    %reduce_sum3A_66 = vector.multi_reduction <add>, %add3A_58, %reduce_sum3A_65 [1] : vector<1152x768xf32> to vector<1152xf32>
    %broadcast_in_dim3A_67 = vector.shape_cast %reduce_sum3A_66 : vector<1152xf32> to vector<1152x1xf32>
    %div3A_68 = arith.constant 7.680000e+02 : f32
    %div3A_69 = vector.broadcast %div3A_68 : f32 to vector<1152x1xf32>
    %div3A_70 = arith.divf %broadcast_in_dim3A_67, %div3A_69 : vector<1152x1xf32>
    %sub3A_71 = vector.broadcast %div3A_70 : vector<1152x1xf32> to vector<1152x768xf32>
    %sub3A_72 = arith.subf %add3A_58, %sub3A_71 : vector<1152x768xf32>
    %integer_pow3A_73 = arith.mulf %sub3A_72, %sub3A_72 : vector<1152x768xf32>
    %reduce_sum3A_74 = arith.constant dense<0.000000e+00> : vector<1152xf32>
    %reduce_sum3A_75 = vector.multi_reduction <add>, %integer_pow3A_73, %reduce_sum3A_74 [1] : vector<1152x768xf32> to vector<1152xf32>
    %broadcast_in_dim3A_76 = vector.shape_cast %reduce_sum3A_75 : vector<1152xf32> to vector<1152x1xf32>
    %div3A_77 = arith.constant 7.680000e+02 : f32
    %div3A_78 = vector.broadcast %div3A_77 : f32 to vector<1152x1xf32>
    %div3A_79 = arith.divf %broadcast_in_dim3A_76, %div3A_78 : vector<1152x1xf32>
    %sub3A_80 = vector.broadcast %div3A_70 : vector<1152x1xf32> to vector<1152x768xf32>
    %sub3A_81 = arith.subf %add3A_58, %sub3A_80 : vector<1152x768xf32>
    %add3A_82 = arith.constant 9.99999974E-6 : f32
    %add3A_83 = vector.broadcast %add3A_82 : f32 to vector<1152x1xf32>
    %add3A_84 = arith.addf %div3A_79, %add3A_83 : vector<1152x1xf32>
    %rsqrt3A_85 = math.rsqrt %add3A_84 : vector<1152x1xf32>
    %mul3A_86 = vector.broadcast %rsqrt3A_85 : vector<1152x1xf32> to vector<1152x768xf32>
    %mul3A_87 = arith.mulf %sub3A_81, %mul3A_86 : vector<1152x768xf32>
    %mul3A_88 = vector.broadcast %get3A_61 : vector<1x768xf32> to vector<1152x768xf32>
    %mul3A_89 = arith.mulf %mul3A_87, %mul3A_88 : vector<1152x768xf32>
    %add3A_90 = vector.broadcast %get3A_64 : vector<1x768xf32> to vector<1152x768xf32>
    %add3A_91 = arith.addf %mul3A_89, %add3A_90 : vector<1152x768xf32>
    %swap3A = arith.constant 0 : index
    %swap3A_92 = arith.constant 0 : index
    %swap3A_93 = arith.constant 0 : index
    %swap3A_94 = vector.load %arg10[%swap3A, %swap3A_92, %swap3A_93] : memref<1x1152x768xf32, #tpu.memory_space<vmem>>, vector<1x1152x768xf32>
    %swap3A_95 = vector.shape_cast %swap3A_94 : vector<1x1152x768xf32> to vector<1152x768xf32>
    %swap3A_96 = vector.shape_cast %add3A_91 : vector<1152x768xf32> to vector<1x1152x768xf32>
    tpu.vector_store %arg10[%swap3A, %swap3A_92, %swap3A_93], %swap3A_96 {strides = array<i32>} : memref<1x1152x768xf32, #tpu.memory_space<vmem>>, vector<1x1152x768xf32>,
    return
  }
  func.func @transform_0(%arg0: i32) -> (i32, i32, i32) {
    %c0_i32 = arith.constant 0 : i32
    %c0_i32_0 = arith.constant 0 : i32
    %c0_i32_1 = arith.constant 0 : i32
    return %arg0, %c0_i32, %c0_i32_0 : i32, i32, i32
  }
  func.func @transform_1(%arg0: i32) -> (i32, i32) {
    %c0_i32 = arith.constant 0 : i32
    %c0_i32_0 = arith.constant 0 : i32
    %c0_i32_1 = arith.constant 0 : i32
    return %c0_i32, %c0_i32_0 : i32, i32
  }
  func.func @transform_2(%arg0: i32) -> (i32, i32) {
    %c0_i32 = arith.constant 0 : i32
    %c0_i32_0 = arith.constant 0 : i32
    %c0_i32_1 = arith.constant 0 : i32
    return %c0_i32, %c0_i32_0 : i32, i32
  }
  func.func @transform_3(%arg0: i32) -> (i32, i32) {
    %c0_i32 = arith.constant 0 : i32
    %c0_i32_0 = arith.constant 0 : i32
    %c0_i32_1 = arith.constant 0 : i32
    return %c0_i32, %c0_i32_0 : i32, i32
  }
  func.func @transform_4(%arg0: i32) -> (i32, i32) {
    %c0_i32 = arith.constant 0 : i32
    %c0_i32_0 = arith.constant 0 : i32
    %c0_i32_1 = arith.constant 0 : i32
    return %c0_i32, %c0_i32_0 : i32, i32
  }
  func.func @transform_5(%arg0: i32) -> (i32, i32) {
    %c0_i32 = arith.constant 0 : i32
    %c0_i32_0 = arith.constant 0 : i32
    %c0_i32_1 = arith.constant 0 : i32
    return %c0_i32, %c0_i32_0 : i32, i32
  }
  func.func @transform_6(%arg0: i32) -> (i32, i32) {
    %c0_i32 = arith.constant 0 : i32
    %c0_i32_0 = arith.constant 0 : i32
    %c0_i32_1 = arith.constant 0 : i32
    return %c0_i32, %c0_i32_0 : i32, i32
  }
  func.func @transform_7(%arg0: i32) -> (i32, i32) {
    %c0_i32 = arith.constant 0 : i32
    %c0_i32_0 = arith.constant 0 : i32
    %c0_i32_1 = arith.constant 0 : i32
    return %c0_i32, %c0_i32_0 : i32, i32
  }
  func.func @transform_8(%arg0: i32) -> (i32, i32) {
    %c0_i32 = arith.constant 0 : i32
    %c0_i32_0 = arith.constant 0 : i32
    %c0_i32_1 = arith.constant 0 : i32
    return %c0_i32, %c0_i32_0 : i32, i32
  }
  func.func @transform_9(%arg0: i32) -> (i32, i32, i32) {
    %c0_i32 = arith.constant 0 : i32
    %c0_i32_0 = arith.constant 0 : i32
    %c0_i32_1 = arith.constant 0 : i32
    return %arg0, %c0_i32, %c0_i32_0 : i32, i32, i32
  }
}

</mosaic_0001>

<sc_bundles>
// kernel: gather_offload_async_start.1
scs
__scs_entry_jumppad:
0x0: {  	(pc) =	sbr.rel $0x88, $3  }
0x1: {  	(tag) =	ssettag $0x0;
	lr =	simm.s32 $0x1  }
0x2: {  	[smem:$0x3F8D] =	sst lr;
	_ =	strace $0xD0000000  }
0x3: {  	_ = 	snop  }
0x4: {  	_ = 	snop  }
0x5: {  	_ = 	snop  }
0x6: {  	_ = 	snop  }
0x7: {  	_ = 	snop  }
__scs_overlays_trampoline_lowered:
0x8: {  	[smem:$0x3F9C] =	sst s0  }
0x9: {  	[smem:$0x3F9D] =	sst s1  }
0xa: {  	[smem:$0x3F9E] =	sst s2  }
0xb: {  	[smem:$0x3F9F] =	sst s3  }
0xc: {  	[smem:$0x3FA0] =	sst s4  }
0xd: {  	[smem:$0x3FA1] =	sst s5  }
0xe: {  	[smem:$0x3FA2] =	sst s6  }
0xf: {  	[smem:$0x3FA3] =	sst s7  }
0x10: {  	[smem:$0x3FA4] =	sst s8  }
0x11: {  	[smem:$0x3FA5] =	sst s9;
	s0 =	simm.s32 @!p0 $0x0  }
0x12: {  	s1 =	sld [smem:$0x3F8B];
	s0 =	simm.s32 @p0 $0x1  }
0x13: {  	[smem:$0x3FA6] =	sst s0;
	s0 =	simm.s32 @!p1 $0x0  }
0x14: {  	s2 =	sld [smem:$0x3F8A];
	s0 =	simm.s32 @p1 $0x1  }
0x15: {  	[smem:$0x3FA7] =	sst s0;
	s0 =	simm.s32 @!p2 $0x0  }
0x16: {  	s3 =	sld [smem:$0x3FDB];
	s0 =	simm.s32 @p2 $0x1  }
0x17: {  	s4 =	simm.s32 $0x1BF5;
	[smem:$0x3FA9] =	sst s0  }
0x18: {  	s0 =	sld [smem:$0x3F8C];
	_ =	swait.ge [sflag:s4], $0x0  }
0x19: {  	s7 =	sld [smem:$0x3F8D]  }
0x1a: {  	s8 =	sadd.s32 $0xFFFFE003, lr  }
0x1b: {  	s9 =	sadd.s32 $0xFFFFFEF7, lr;
	s5 =	simm.s32 $0xFFFFFFFF;
	p2 =	slt.u32 s8, $0xFFFFF086  }
0x1c: {  	p1 =	slt.u32 s9, $0xF7A;
	s5 =	simm.s32 @!p2 $0x0  }
0x1d: {  	s5 =	simm.s32 @p1 $0x1;
	p0 =	seq.s32 s7, s2  }
0x1e: {  	s7 =	smul.u32 @!p0 $0xF7A, s2;
	p2 =	seq.s32 @!p0 s5, $0x0  }
0x1f: {  	s9 =	smul.u32 $0xF7A, s1;
	s8 =	simm.s32 @!p0 $0x1BF5;
	p2 =	por !p2, p0  }
0x20: {  	[sflag:s8] =	ssyncset.s32 @!p0 $0xFFFFF086;
	s6 =	sadd.s32 @!p0 s3, s7;
	s7 =	simm.s32 @!p0 $0x108  }
0x21: {  	s3 =	sadd.s32 s3, s9;
	s6 =	sadd.s32 @!p0 $0x88, s6;
	s7 =	simm.s32 @p2 $0x1082  }
0x22: {  	[simem:s7], [sflag:s8] =	dma.local @!p0 [hbm:s6], $0xF7A  }
0x23: {  	s9 =	sor.u32 $0xD0000000, s2;
	s6 =	simm.s32 $0x108;
	_ =	swait.ge @!p0 [sflag:s8], $0x0  }
0x24: {  	s3 =	sadd.s32 $0x88, s3;
	s6 =	simm.s32 @!p1 $0x1082;
	[sflag:s4] =	ssyncset.s32 $0xFFFFF086  }
0x25: {  	[simem:s6], [sflag:s4] =	dma.local [hbm:s3], $0xF7A  }
0x26: {  	[smem:$0x3F8D] =	sst s1;
	(tag) =	ssettag s2;
	_ =	strace s9  }
0x27: {  	s1 =	sld [smem:$0x3F9D]  }
0x28: {  	s2 =	sld [smem:$0x3F9E]  }
0x29: {  	s4 =	sld [smem:$0x3FA0]  }
0x2a: {  	p0 =	seq.s32 s5, $0x0;
	s5 =	sld [smem:$0x3FA1]  }
0x2b: {  	s6 =	sld [smem:$0x3FA2]  }
0x2c: {  	s7 =	sld [smem:$0x3FA3]  }
0x2d: {  	s3 =	simm.s32 $0x108;
	s8 =	sld [smem:$0x3FA4]  }
0x2e: {  	s3 =	simm.s32 @!p0 $0x1082;
	s9 =	sld [smem:$0x3FA5]  }
0x2f: {  	lr =	sadd.s32 s0, s3;
	s0 =	sld [smem:$0x3F9C]  }
0x30: {  	s3 =	sld [smem:$0x3F9F]  }
0x31: {  	[smem:$0x3FA8] =	sst s10  }
0x32: {  	s10 =	sld [smem:$0x3FA6];
	_ =	sdelay $0x3  }
0x33: {  	p0 =	seq.s32 s10, $0x1;
	s10 =	sld [smem:$0x3FA8];
	_ =	sdelay $0x3  }
0x34: {  	[smem:$0x3FA8] =	sst s10  }
0x35: {  	s10 =	sld [smem:$0x3FA7];
	_ =	sdelay $0x3  }
0x36: {  	p1 =	seq.s32 s10, $0x1;
	s10 =	sld [smem:$0x3FA8];
	_ =	sdelay $0x3  }
0x37: {  	[smem:$0x3FA8] =	sst s10  }
0x38: {  	s10 =	sld [smem:$0x3FA9]  }
0x39: {  	_ = 	snop;
	(pc) =	sbr.ind lr, $3  }
0x3a: {  	_ = 	snop  }
0x3b: {  	_ = 	snop  }
0x3c: {  	p2 =	seq.s32 s10, $0x1;
	s10 =	sld [smem:$0x3FA8]  }
0x3d: {  	_ =	shalt  }
0x3e: {  	_ =	shalt  }
0x3f: {  	_ =	shalt  }
0x40: {  	_ =	shalt  }
0x41: {  	_ =	shalt  }
0x42: {  	_ =	shalt  }
0x43: {  	_ =	shalt  }
0x44: {  	_ =	shalt  }
0x45: {  	_ =	shalt  }
0x46: {  	_ =	shalt  }
0x47: {  	_ =	shalt  }
0x48: {  	_ =	shalt  }
0x49: {  	_ =	shalt  }
0x4a: {  	_ =	shalt  }
0x4b: {  	_ =	shalt  }
0x4c: {  	_ =	shalt  }
0x4d: {  	_ =	shalt  }
0x4e: {  	_ =	shalt  }
0x4f: {  	_ =	shalt  }
0x50: {  	_ =	shalt  }
0x51: {  	_ =	shalt  }
0x52: {  	_ =	shalt  }
0x53: {  	_ =	shalt  }
0x54: {  	_ =	shalt  }
0x55: {  	_ =	shalt  }
0x56: {  	_ =	shalt  }
0x57: {  	_ =	shalt  }
0x58: {  	_ =	shalt  }
0x59: {  	_ =	shalt  }
0x5a: {  	_ =	shalt  }
0x5b: {  	_ =	shalt  }
0x5c: {  	_ =	shalt  }
0x5d: {  	_ =	shalt  }
0x5e: {  	_ =	shalt  }
0x5f: {  	_ =	shalt  }
0x60: {  	_ =	shalt  }
0x61: {  	_ =	shalt  }
0x62: {  	_ =	shalt  }
0x63: {  	_ =	shalt  }
0x64: {  	_ =	shalt  }
0x65: {  	_ =	shalt  }
0x66: {  	_ =	shalt  }
0x67: {  	_ =	shalt  }
0x68: {  	_ =	shalt  }
0x69: {  	_ =	shalt  }
0x6a: {  	_ =	shalt  }
0x6b: {  	_ =	shalt  }
0x6c: {  	_ =	shalt  }
0x6d: {  	_ =	shalt  }
0x6e: {  	_ =	shalt  }
0x6f: {  	_ =	shalt  }
0x70: {  	_ =	shalt  }
0x71: {  	_ =	shalt  }
0x72: {  	_ =	shalt  }
0x73: {  	_ =	shalt  }
0x74: {  	_ =	shalt  }
0x75: {  	_ =	shalt  }
0x76: {  	_ =	shalt  }
0x77: {  	_ =	shalt  }
0x78: {  	_ =	shalt  }
0x79: {  	_ =	shalt  }
0x7a: {  	_ =	shalt  }
0x7b: {  	_ =	shalt  }
0x7c: {  	_ =	shalt  }
0x7d: {  	_ =	shalt  }
0x7e: {  	_ =	shalt  }
0x7f: {  	_ =	shalt  }
0x80: {  	_ =	shalt  }
0x81: {  	_ =	shalt  }
0x82: {  	_ =	shalt  }
0x83: {  	_ =	shalt  }
0x84: {  	_ =	shalt  }
0x85: {  	_ =	shalt  }
0x86: {  	_ =	shalt  }
0x87: {  	_ =	shalt  }
.Lfunc_end0:
.L_simem_size_0:
called_computation.1_lowered:
.L_overlay_start_0:
0x88: {  	s2 =	sld [smem:$0x3FD9]  }
0x89: {  	s3 =	sld [smem:$0x3FFE];
	_ =	sdelay $0x1  }
0x8a: {  	s1 =	srdreg.scid  }
0x8b: {  	s0 =	sand.u32 $0x1, s1  }
0x8c: {  	s16 =	sshll.u32 s0, $0xA;
	s2 =	sadd.s32 s3, s2  }
0x8d: {  	s2 =	sadd.s32 s2, s16  }
0x8e: {  	[smem:$0x3FB4] =	sst s2  }
0x8f: {  	_ = 	snop  }
0x90: {  	(tm) =	ssettm $0x1  }
0x91: {  	s17 =	sld [smem:$0x3FFB];
	_ =	sdelay $0x3  }
0x92: {  	_ =	strace s17  }
0x93: {  	s2 =	sld [smem:$0x3FFC];
	_ =	sdelay $0x3  }
0x94: {  	_ =	strace s2  }
0x95: {  	s2 =	sld [smem:$0x3FFD];
	_ =	sdelay $0x3  }
0x96: {  	_ =	strace s2  }
0x97: {  	_ =	strace $0x8FFFFFFF  }
0x98: {  	s18 =	sld [smem:$0x3FDB];
	_ =	sdelay $0x1  }
0x99: {  	s19 =	simm.s32 $_scs_section_size  }
0x9a: {  	s4 =	simm.s32 $_size__tile_overlayer_lowered;
	s5 =	simm.s32 $_tile_overlayer_lowered  }
0x9b: {  	s22 =	simm.s32 $0x1BFF;
	s21 =	sshll.u32 s5, $0x1;
	s2 =	sadd.s32 s19, s18  }
0x9c: {  	s6 =	simm.s32 $0x0;
	s20 =	sshll.u32 s4, $0x1;
	s4 =	sadd.s32 s21, s2  }
0x9d: {  	[timem:s6], [sflag:s22] =	dma.local [hbm:s4], s20  }
0x9e: {  	_ =	swait.ge [sflag:s22], s20  }
0x9f: {  	s3 =	ssub.s32 $0x0, s20;
	[sflag:s22] =	ssyncset.done $0x0  }
0xa0: {  	[sflag:s22] =	ssyncadd.s32 s3;
	_ =	sdelay $0x1  }
0xa1: {  	s23 =	simm.s32 $0x1B8B  }
0xa2: {  	_ =	swait.ge [sflag:s23], $0x1  }
0xa3: {  	[sflag:s23] =	ssyncset.done $0x0  }
0xa4: {  	s25 =	simm.s32 $0x1B8E;
	s24 =	sld [smem:$0x3FFE];
	[sflag:s23] =	ssyncadd.s32 $0xFFFFFFFF  }
0xa5: {  	s26 =	simm.s32 $execute0_lowered;
	[smem:$0x3FD2] =	sst s25  }
0xa6: {  	s4 =	sshll.u32 s26, $0x1;
	_ =	strace $0x80000049;
	[dreg:$0x1] =	wrdreg $0xFFFFFFFF  }
0xa7: {  	s28 =	simm.s32 $_size_execute0_lowered;
	s2 =	sadd.s32 s2, s4;
	[dreg:$0x0] =	wrdreg $0x0  }
0xa8: {  	s4 =	sshll.u32 s28, $0x1;
	[dreg:$0x2] =	wrdreg s2  }
0xa9: {  	[dreg:$0x3] =	wrdreg s4  }
0xaa: {  	[dreg:$0x4] =	wrdreg $0xC0  }
0xab: {  	_ =	task [dreg:s6], $0x5FFFF  }
0xac: {  	[dreg:$0x1] =	wrdreg $0xFFFFFFFF  }
0xad: {  	[dreg:$0x0] =	wrdreg $0x60  }
0xae: {  	[dreg:$0x2] =	wrdreg s24  }
0xaf: {  	[dreg:$0x3] =	wrdreg $0x9  }
0xb0: {  	_ =	task.clear_ibuf [dreg:s6], $0x4FFFF;
	_ =	strace $0x90000049  }
0xb1: {  	s29 =	simm.s32 $0x9;
	_ =	strace $0x8000004B  }
0xb2: {  	_ =	swait.ge [sflag:s29], $0x1  }
0xb3: {  	[sflag:s29] =	ssyncadd.s32 $0xFFFFFFFF  }
0xb4: {  	_ =	strace $0x9000004B  }
0xb5: {  	_ =	sfence  }
0xb6: {  	s30 =	sld [smem:$0x0];
	_ =	sdelay $0x2  }
0xb7: {  	s31 =	sshll.u32 s1, $0xD;
	s1 =	sshrl.u32 s1, $0x2  }
0xb8: {  	s3 =	sand.u32 $0x4000, s31;
	s1 =	sadd.s32 s1, s30  }
0xb9: {  	s0 =	sor.u32 s3, s0;
	s1 =	sshll.u32 s1, $0x11  }
0xba: {  	s0 =	sor.u32 s1, s0  }
0xbb: {  	s0 =	sadd.s32 $0x8F2B, s0  }
0xbc: {  	[sflag:s0] =	ssyncadd.remote.s32 $0x1  }
0xbd: {  	_ =	sfence.sel $0xFFFF  }
0xbe: {  	[dreg:$0x0] =	wrdreg $0xFFFFFFFF;
	(pc) =	sbr.abs _section_cstart, $3  }
0xbf: {  	[dreg:$0x1] =	wrdreg $0xFFFFFFFF  }
0xc0: {  	_ =	task.clear_ibuf [dreg:s6], $0x2FFFF;
	_ =	strace $0x9FFFFFFF  }
0xc1: {  	(tm) =	ssettm $0x7FFFFFFF  }
tec
execute0_lowered:
.L_overlay_start_1:
0x0: {  	(tag) =	ssettag $0x1  }
0x1: {  	s7 =	rddreg [dreg:$0x0]  }
0x2: {  	s1 =	srdreg.scid;
	s0 =	rddreg [dreg:$0x1]  }
0x3: {  	_ =	strace $0x8000004A;
	s3 =	simm.s32 $0x1;
	s5 =	simm.s32 $0x2  }
0x4: {  	s9 =	simm.s32 $0x3;
	s11 =	simm.s32 $0x0;
	s2 =	sshll.u32 s1, $0x4  }
.Ltmp0:
0x5: {  	s1 =	stileid.u32;
	s4 =	sand.u32 $0x10, s2;
	(pc) =	sbr.rel .LBB2_1-.Ltmp0, $4  }
0x6: {  	p0 =	por $0x0, $0x0;
	[sflag:s3] =	ssyncpa.u1 $0x0;
	s4 =	sor.u32 s1, s4  }
0x7: {  	s6 =	sadd.s32 $0x8D000, s7;
	[sflag:s5] =	ssyncpa.u1 $0x0;
	s4 =	smul.u32 $0x1B00, s4  }
0x8: {  	s2 =	sadd.s32 $0x183C00, s7;
	s7 =	sadd.s32 $0x4E3C00, s7;
	[sflag:s9] =	ssyncpa.u1 $0x0  }
0x9: {  	vm0 =	vmmov $0xff;
	vm1 =	vcmask $0x3F20;
	s9 =	simm.s32 $0x0;
	s8 =	sadd.s32 $0x1B00, s4;
	s10 =	smov.u32 s4  }
.LBB2_6:
0xa: {  	[hbm:s15] =	stream.linear.scatter [tilespmem:s12], [sflag:$0x3], $0x400, $0x38;
	[tilespmem:$0x18300] =	vst v63  }
.LBB2_7:
0xb: {  	p1 =	slt.u32 s9, $0x2;
	s11 =	sadd.s32 $0x180, s10  }
0xc: {  	s13 =	smov.u32 s4;
	s9 =	sadd.s32 $0x1, s9;
	p2 =	slt.s32 s11, s8  }
0xd: {  	s13 =	smov.u32 @p2 s11;
	p2 =	sne.s32 s9, $0x14  }
.Ltmp1:
0xe: {  	_ = 	snop;
	(pc) =	sbr.rel @!p2 .LBB2_8-.Ltmp1, $4  }
0xf: {  	s12 =	simm.s32 @!p1 $0x3  }
0x10: {  	_ =	swait.ge @!p1 [sflag:s12], $0xC000  }
0x11: {  	p0 =	por !p0, !p0;
	[sflag:s12] =	ssyncset.done @!p1 $0x0  }
0x12: {  	s11 =	smov.u32 s10;
	s10 =	smov.u32 s13;
	[sflag:s12] =	ssyncadd.s32 @!p1 $0xFFFF4000  }
.LBB2_1:
0x13: {  	p1 =	sgt.u32 s9, $0x11  }
0x14: {  	s12 =	sxor.u32 @!p1 $0xFFFFFFFF, s9  }
0x15: {  	s12 =	sand.u32 @!p1 $0x1, s12  }
0x16: {  	s12 =	smul.u32 @!p1 $0x600, s12  }
0x17: {  	s31 =	sadd.s32 $0xFFFFFFFF, s9;
	s13 =	sshrl.u32 @!p1 s10, $0x3  }
0x18: {  	s14 =	sand.u32 @!p1 $0x7, s10;
	s13 =	sadd.s32 @!p1 s6, s13;
	s12 =	sshrl.u32 @!p1 s12, $0x2  }
0x19: {  	[tilespmem:s12], [sflag:$0x2] =	stream.linear.gather @!p1 [hbm4b:s13+s14], $0x180, $0x38;
	[tilespmem:$0x18300] =	vst v63  }
0x1a: {  	p1 =	sgt.u32 s31, $0x11  }
.Ltmp2:
0x1b: {  	_ = 	snop;
	(pc) =	sbr.rel @p1 .LBB2_7-.Ltmp2, $1  }
0x1c: {  	_ =	sdelay $0x3  }
0x1d: {  	s12 =	simm.s32 $0x1  }
0x1e: {  	s12 =	simm.s32 @!p0 $0x0  }
0x1f: {  	s13 =	smul.u32 $0x600, s12  }
0x20: {  	_ =	swait.ge [sflag:s5], $0x180  }
0x21: {  	[sflag:s5] =	ssyncset.done $0x0;
	s14 =	sshrl.u32 s13, $0x2  }
0x22: {  	[sflag:s5] =	ssyncadd.s32 $0xFFFFFE80;
	s13 =	sadd.s32 $0x0, s14  }
0x23: {  	v0 =	vld.msk [tilespmem:s13+$0x0 ss:$0x1], $0xffff;
	_ =	sdelay $0x4  }
0x24: {  	v1 =	vand.u32 $0x3F, v0;
	v2 =	vshll.u32 v0, $0x1  }
0x25: {  	vm2 =	veq.s32 v0, $0x80000000;
	v0 =	vmul.u32 $0x90000, v1;
	v1 =	vand.u32 $0xFFF80, v2  }
0x26: {  	v1 =	vsel vm2, $0xFFFFFF80, v1  }
0x27: {  	v0 =	vsel vm2, $0xFFF70000, v0;
	v2 =	vand.u32 $0xFFFFFC00, v1  }
0x28: {  	v1 =	vand.u32 $0x380, v1;
	v0 =	vadd.s32 v0, v2  }
0x29: {  	v0 =	vor.u32 v1, v0  }
0x2a: {  	v0 =	vshrl.u32 v0, $0x3  }
0x2b: {  	s12 =	smul.u32 $0x30000, s12;
	_ =	sdelay $0x1  }
0x2c: {  	s12 =	sshrl.u32 s12, $0x2  }
0x2d: {  	s12 =	sor.u32 $0x300, s12  }
0x2e: {  	[tilespmem:s12], [sflag:$0x1] =	stream.indirect_vreg.gather [hbm:s2], $0x80, v0, vm0, $0x38;
	[tilespmem:$0x18300] =	vst v63  }
0x2f: {  	s15 =	sadd.s32 $0x10, s14;
	s13 =	sadd.s32 $0x400, s12  }
0x30: {  	[tilespmem:s13], [sflag:$0x1] =	stream.indirect_vreg.gather [hbm:s2], $0x80, v0, vm1, $0x38;
	[tilespmem:$0x18300] =	vst v63  }
0x31: {  	s16 =	simm.s32 $0x80;
	v0 =	vld.msk [tilespmem:s15+$0x0 ss:$0x1], $0xffff;
	s15 =	smov.u32 s12  }
.LBB2_3:
0x32: {  	p1 =	sne.s32 s16, $0x5C0;
	_ =	sdelay $0x4  }
0x33: {  	v1 =	vand.u32 $0x3F, v0;
	v2 =	vshll.u32 v0, $0x1  }
0x34: {  	vm2 =	veq.s32 v0, $0x80000000;
	v0 =	vmul.u32 $0x90000, v1;
	v1 =	vand.u32 $0xFFF80, v2  }
0x35: {  	v1 =	vsel vm2, $0xFFFFFF80, v1  }
0x36: {  	v0 =	vsel vm2, $0xFFF70000, v0;
	v2 =	vand.u32 $0xFFFFFC00, v1  }
0x37: {  	v1 =	vand.u32 $0x380, v1;
	v0 =	vadd.s32 v0, v2  }
0x38: {  	v0 =	vor.u32 v1, v0  }
0x39: {  	v0 =	vshrl.u32 v0, $0x3;
	_ =	sdelay $0x3  }
.Ltmp3:
0x3a: {  	s17 =	sshra.s32 s16, $0x2;
	s15 =	sadd.s32 $0x800, s15;
	(pc) =	sbr.rel @p1 .LBB2_3-.Ltmp3, $4  }
0x3b: {  	[tilespmem:s15], [sflag:$0x1] =	stream.indirect_vreg.gather [hbm:s2], $0x80, v0, vm0, $0x38;
	[tilespmem:$0x18300] =	vst v63  }
0x3c: {  	s17 =	sadd.s32 s17, s14;
	s18 =	sadd.s32 $0x400, s15  }
0x3d: {  	[tilespmem:s18], [sflag:$0x1] =	stream.indirect_vreg.gather [hbm:s2], $0x80, v0, vm1, $0x38;
	[tilespmem:$0x18300] =	vst v63  }
0x3e: {  	s16 =	sadd.s32 $0x40, s16;
	v0 =	vld.msk [tilespmem:s17+$0x0 ss:$0x1], $0xffff  }
0x3f: {  	_ =	sdelay $0x3  }
0x40: {  	v1 =	vand.u32 $0x3F, v0;
	v2 =	vshll.u32 v0, $0x1  }
0x41: {  	vm2 =	veq.s32 v0, $0x80000000;
	v61 =	vmul.u32 $0x90000, v1;
	v62 =	vand.u32 $0xFFF80, v2  }
0x42: {  	v1 =	vsel vm2, $0xFFFFFF80, v62  }
0x43: {  	v0 =	vsel vm2, $0xFFF70000, v61;
	v63 =	vand.u32 $0xFFFFFC00, v1  }
0x44: {  	v1 =	vand.u32 $0x380, v1;
	v0 =	vadd.s32 v0, v63  }
0x45: {  	v0 =	vor.u32 v1, v0  }
0x46: {  	v0 =	vshrl.u32 v0, $0x3;
	_ =	sdelay $0x3  }
0x47: {  	s14 =	sadd.s32 $0x800, s15  }
0x48: {  	[tilespmem:s14], [sflag:$0x1] =	stream.indirect_vreg.gather [hbm:s2], $0x80, v0, vm0, $0x38;
	[tilespmem:$0x18300] =	vst v63  }
0x49: {  	s14 =	sadd.s32 $0x400, s14  }
0x4a: {  	[tilespmem:s14], [sflag:$0x1] =	stream.indirect_vreg.gather [hbm:s2], $0x80, v0, vm1, $0x38;
	[tilespmem:$0x18300] =	vst v63  }
0x4b: {  	s11 =	sshll.u32 s11, $0x4;
	_ =	swait.ge [sflag:s3], $0xC000  }
0x4c: {  	s11 =	sadd.s32 s11, s7;
	[sflag:s3] =	ssyncset.done $0x0  }
0x4d: {  	s15 =	sadd.s32 $0x0, s11;
	s14 =	simm.s32 $0x80;
	[sflag:s3] =	ssyncadd.s32 $0xFFFF4000  }
.LBB2_5:
0x4e: {  	[hbm:s15] =	stream.linear.scatter [tilespmem:s12], [sflag:$0x3], $0x400, $0x38;
	[tilespmem:$0x18300] =	vst v63  }
0x4f: {  	s15 =	smov.u32 s14;
	s12 =	smov.u32 s13;
	p1 =	sne.s32 s14, $0x1780  }
.Ltmp4:
0x50: {  	s14 =	sadd.s32 $0x80, s14;
	(pc) =	sbr.rel @p1 .LBB2_5-.Ltmp4, $2  }
0x51: {  	_ =	sdelay $0x2  }
0x52: {  	s13 =	sadd.s32 $0x400, s13;
	s15 =	sadd.s32 s15, s11  }
.Ltmp5:
0x53: {  	_ = 	snop;
	(pc) =	sbr.rel .LBB2_6-.Ltmp5, $1  }
0x54: {  	_ =	sdelay $0x3  }
.LBB2_8:
0x55: {  	_ =	sfence.sel $0x180000  }
0x56: {  	s2 =	simm.s32 $0x2;
	[bflag:$0x0] =	sbarrier.arrive $0xFFFF  }
0x57: {  	s30 =	simm.s32 $0x3;
	[sflag:s2] =	ssyncpa.u1 $0x1  }
0x58: {  	s31 =	simm.s32 $0x1;
	[sflag:s30] =	ssyncpa.u1 $0x1  }
0x59: {  	[sflag:s31] =	ssyncpa.u1 $0x1  }
0x5a: {  	p0 =	sne.s32 s1, $0x0;
	_ =	strace $0x9000004A  }
0x5b: {  	s0 =	sadd.s32 @!p0 $0x100000, s0;
	[bflag:$0x2] =	sbarrier.arrive $0xFFFF  }
0x5c: {  	[sflag:s0] =	ssyncadd.tile.s32 @!p0 $0x1;
	_ =	shalt  }
.Lfunc_end2:
_tile_overlayer_lowered:
.L_overlay_start_2:
0x5d: {  	(tag) =	ssettag $0x2  }
0x5e: {  	s0 =	rddreg [dreg:$0x0];
	s2 =	stileid.u32  }
0x5f: {  	s1 =	rddreg [dreg:$0x1];
	p0 =	sne.s32 s2, $0x0  }
0x60: {  	s3 =	rddreg [dreg:$0x2];
	[bflag:$0x3] =	sbarrier.arrive $0xFFFF;
	s2 =	simm.s32 @!p0 $0x1C01  }
0x61: {  	[timem:s3], [sflag:s2] =	dma.local @!p0 [hbm:s0], s1  }
0x62: {  	s0 =	simm.s32 @!p0 $0x1  }
0x63: {  	_ =	swait.ge @!p0 [sflag:s0], s1  }
0x64: {  	s1 =	ssub.s32 @!p0 $0x0, s1;
	[sflag:s0] =	ssyncset.done @!p0 $0x0  }
0x65: {  	[sflag:s0] =	ssyncadd.s32 @!p0 s1  }
0x66: {  	[bflag:$0x3] =	sbarrier.arrive $0xFFFF  }
0x67: {  	_ =	shalt  }

// kernel: gather_offload_async_start
scs
__scs_entry_jumppad:
0x0: {  	(pc) =	sbr.rel $0x88, $3  }
0x1: {  	(tag) =	ssettag $0x0;
	lr =	simm.s32 $0x1  }
0x2: {  	[smem:$0x3F8D] =	sst lr;
	_ =	strace $0xD0000000  }
0x3: {  	_ = 	snop  }
0x4: {  	_ = 	snop  }
0x5: {  	_ = 	snop  }
0x6: {  	_ = 	snop  }
0x7: {  	_ = 	snop  }
__scs_overlays_trampoline_lowered:
0x8: {  	[smem:$0x3F9C] =	sst s0  }
0x9: {  	[smem:$0x3F9D] =	sst s1  }
0xa: {  	[smem:$0x3F9E] =	sst s2  }
0xb: {  	[smem:$0x3F9F] =	sst s3  }
0xc: {  	[smem:$0x3FA0] =	sst s4  }
0xd: {  	[smem:$0x3FA1] =	sst s5  }
0xe: {  	[smem:$0x3FA2] =	sst s6  }
0xf: {  	[smem:$0x3FA3] =	sst s7  }
0x10: {  	[smem:$0x3FA4] =	sst s8  }
0x11: {  	[smem:$0x3FA5] =	sst s9;
	s0 =	simm.s32 @!p0 $0x0  }
0x12: {  	s1 =	sld [smem:$0x3F8B];
	s0 =	simm.s32 @p0 $0x1  }
0x13: {  	[smem:$0x3FA6] =	sst s0;
	s0 =	simm.s32 @!p1 $0x0  }
0x14: {  	s2 =	sld [smem:$0x3F8A];
	s0 =	simm.s32 @p1 $0x1  }
0x15: {  	[smem:$0x3FA7] =	sst s0;
	s0 =	simm.s32 @!p2 $0x0  }
0x16: {  	s3 =	sld [smem:$0x3FDB];
	s0 =	simm.s32 @p2 $0x1  }
0x17: {  	s4 =	simm.s32 $0x1BF5;
	[smem:$0x3FA9] =	sst s0  }
0x18: {  	s0 =	sld [smem:$0x3F8C];
	_ =	swait.ge [sflag:s4], $0x0  }
0x19: {  	s7 =	sld [smem:$0x3F8D]  }
0x1a: {  	s8 =	sadd.s32 $0xFFFFE003, lr  }
0x1b: {  	s9 =	sadd.s32 $0xFFFFFEF7, lr;
	s5 =	simm.s32 $0xFFFFFFFF;
	p2 =	slt.u32 s8, $0xFFFFF086  }
0x1c: {  	p1 =	slt.u32 s9, $0xF7A;
	s5 =	simm.s32 @!p2 $0x0  }
0x1d: {  	s5 =	simm.s32 @p1 $0x1;
	p0 =	seq.s32 s7, s2  }
0x1e: {  	s7 =	smul.u32 @!p0 $0xF7A, s2;
	p2 =	seq.s32 @!p0 s5, $0x0  }
0x1f: {  	s9 =	smul.u32 $0xF7A, s1;
	s8 =	simm.s32 @!p0 $0x1BF5;
	p2 =	por !p2, p0  }
0x20: {  	[sflag:s8] =	ssyncset.s32 @!p0 $0xFFFFF086;
	s6 =	sadd.s32 @!p0 s3, s7;
	s7 =	simm.s32 @!p0 $0x108  }
0x21: {  	s3 =	sadd.s32 s3, s9;
	s6 =	sadd.s32 @!p0 $0x88, s6;
	s7 =	simm.s32 @p2 $0x1082  }
0x22: {  	[simem:s7], [sflag:s8] =	dma.local @!p0 [hbm:s6], $0xF7A  }
0x23: {  	s9 =	sor.u32 $0xD0000000, s2;
	s6 =	simm.s32 $0x108;
	_ =	swait.ge @!p0 [sflag:s8], $0x0  }
0x24: {  	s3 =	sadd.s32 $0x88, s3;
	s6 =	simm.s32 @!p1 $0x1082;
	[sflag:s4] =	ssyncset.s32 $0xFFFFF086  }
0x25: {  	[simem:s6], [sflag:s4] =	dma.local [hbm:s3], $0xF7A  }
0x26: {  	[smem:$0x3F8D] =	sst s1;
	(tag) =	ssettag s2;
	_ =	strace s9  }
0x27: {  	s1 =	sld [smem:$0x3F9D]  }
0x28: {  	s2 =	sld [smem:$0x3F9E]  }
0x29: {  	s4 =	sld [smem:$0x3FA0]  }
0x2a: {  	p0 =	seq.s32 s5, $0x0;
	s5 =	sld [smem:$0x3FA1]  }
0x2b: {  	s6 =	sld [smem:$0x3FA2]  }
0x2c: {  	s7 =	sld [smem:$0x3FA3]  }
0x2d: {  	s3 =	simm.s32 $0x108;
	s8 =	sld [smem:$0x3FA4]  }
0x2e: {  	s3 =	simm.s32 @!p0 $0x1082;
	s9 =	sld [smem:$0x3FA5]  }
0x2f: {  	lr =	sadd.s32 s0, s3;
	s0 =	sld [smem:$0x3F9C]  }
0x30: {  	s3 =	sld [smem:$0x3F9F]  }
0x31: {  	[smem:$0x3FA8] =	sst s10  }
0x32: {  	s10 =	sld [smem:$0x3FA6];
	_ =	sdelay $0x3  }
0x33: {  	p0 =	seq.s32 s10, $0x1;
	s10 =	sld [smem:$0x3FA8];
	_ =	sdelay $0x3  }
0x34: {  	[smem:$0x3FA8] =	sst s10  }
0x35: {  	s10 =	sld [smem:$0x3FA7];
	_ =	sdelay $0x3  }
0x36: {  	p1 =	seq.s32 s10, $0x1;
	s10 =	sld [smem:$0x3FA8];
	_ =	sdelay $0x3  }
0x37: {  	[smem:$0x3FA8] =	sst s10  }
0x38: {  	s10 =	sld [smem:$0x3FA9]  }
0x39: {  	_ = 	snop;
	(pc) =	sbr.ind lr, $3  }
0x3a: {  	_ = 	snop  }
0x3b: {  	_ = 	snop  }
0x3c: {  	p2 =	seq.s32 s10, $0x1;
	s10 =	sld [smem:$0x3FA8]  }
0x3d: {  	_ =	shalt  }
0x3e: {  	_ =	shalt  }
0x3f: {  	_ =	shalt  }
0x40: {  	_ =	shalt  }
0x41: {  	_ =	shalt  }
0x42: {  	_ =	shalt  }
0x43: {  	_ =	shalt  }
0x44: {  	_ =	shalt  }
0x45: {  	_ =	shalt  }
0x46: {  	_ =	shalt  }
0x47: {  	_ =	shalt  }
0x48: {  	_ =	shalt  }
0x49: {  	_ =	shalt  }
0x4a: {  	_ =	shalt  }
0x4b: {  	_ =	shalt  }
0x4c: {  	_ =	shalt  }
0x4d: {  	_ =	shalt  }
0x4e: {  	_ =	shalt  }
0x4f: {  	_ =	shalt  }
0x50: {  	_ =	shalt  }
0x51: {  	_ =	shalt  }
0x52: {  	_ =	shalt  }
0x53: {  	_ =	shalt  }
0x54: {  	_ =	shalt  }
0x55: {  	_ =	shalt  }
0x56: {  	_ =	shalt  }
0x57: {  	_ =	shalt  }
0x58: {  	_ =	shalt  }
0x59: {  	_ =	shalt  }
0x5a: {  	_ =	shalt  }
0x5b: {  	_ =	shalt  }
0x5c: {  	_ =	shalt  }
0x5d: {  	_ =	shalt  }
0x5e: {  	_ =	shalt  }
0x5f: {  	_ =	shalt  }
0x60: {  	_ =	shalt  }
0x61: {  	_ =	shalt  }
0x62: {  	_ =	shalt  }
0x63: {  	_ =	shalt  }
0x64: {  	_ =	shalt  }
0x65: {  	_ =	shalt  }
0x66: {  	_ =	shalt  }
0x67: {  	_ =	shalt  }
0x68: {  	_ =	shalt  }
0x69: {  	_ =	shalt  }
0x6a: {  	_ =	shalt  }
0x6b: {  	_ =	shalt  }
0x6c: {  	_ =	shalt  }
0x6d: {  	_ =	shalt  }
0x6e: {  	_ =	shalt  }
0x6f: {  	_ =	shalt  }
0x70: {  	_ =	shalt  }
0x71: {  	_ =	shalt  }
0x72: {  	_ =	shalt  }
0x73: {  	_ =	shalt  }
0x74: {  	_ =	shalt  }
0x75: {  	_ =	shalt  }
0x76: {  	_ =	shalt  }
0x77: {  	_ =	shalt  }
0x78: {  	_ =	shalt  }
0x79: {  	_ =	shalt  }
0x7a: {  	_ =	shalt  }
0x7b: {  	_ =	shalt  }
0x7c: {  	_ =	shalt  }
0x7d: {  	_ =	shalt  }
0x7e: {  	_ =	shalt  }
0x7f: {  	_ =	shalt  }
0x80: {  	_ =	shalt  }
0x81: {  	_ =	shalt  }
0x82: {  	_ =	shalt  }
0x83: {  	_ =	shalt  }
0x84: {  	_ =	shalt  }
0x85: {  	_ =	shalt  }
0x86: {  	_ =	shalt  }
0x87: {  	_ =	shalt  }
.Lfunc_end0:
.L_simem_size_0:
called_computation_lowered:
.L_overlay_start_0:
0x88: {  	s2 =	sld [smem:$0x3FD9]  }
0x89: {  	s3 =	sld [smem:$0x3FFE];
	_ =	sdelay $0x1  }
0x8a: {  	s1 =	srdreg.scid  }
0x8b: {  	s0 =	sand.u32 $0x1, s1  }
0x8c: {  	s16 =	sshll.u32 s0, $0xA;
	s2 =	sadd.s32 s3, s2  }
0x8d: {  	s2 =	sadd.s32 s2, s16  }
0x8e: {  	[smem:$0x3FB4] =	sst s2  }
0x8f: {  	_ = 	snop  }
0x90: {  	(tm) =	ssettm $0x1  }
0x91: {  	s17 =	sld [smem:$0x3FFB];
	_ =	sdelay $0x3  }
0x92: {  	_ =	strace s17  }
0x93: {  	s2 =	sld [smem:$0x3FFC];
	_ =	sdelay $0x3  }
0x94: {  	_ =	strace s2  }
0x95: {  	s2 =	sld [smem:$0x3FFD];
	_ =	sdelay $0x3  }
0x96: {  	_ =	strace s2  }
0x97: {  	_ =	strace $0x8FFFFFFF  }
0x98: {  	s18 =	sld [smem:$0x3FDB];
	_ =	sdelay $0x1  }
0x99: {  	s19 =	simm.s32 $_scs_section_size  }
0x9a: {  	s4 =	simm.s32 $_size__tile_overlayer_lowered;
	s5 =	simm.s32 $_tile_overlayer_lowered  }
0x9b: {  	s22 =	simm.s32 $0x1BFF;
	s21 =	sshll.u32 s5, $0x1;
	s2 =	sadd.s32 s19, s18  }
0x9c: {  	s6 =	simm.s32 $0x0;
	s20 =	sshll.u32 s4, $0x1;
	s4 =	sadd.s32 s21, s2  }
0x9d: {  	[timem:s6], [sflag:s22] =	dma.local [hbm:s4], s20  }
0x9e: {  	_ =	swait.ge [sflag:s22], s20  }
0x9f: {  	s3 =	ssub.s32 $0x0, s20;
	[sflag:s22] =	ssyncset.done $0x0  }
0xa0: {  	[sflag:s22] =	ssyncadd.s32 s3;
	_ =	sdelay $0x1  }
0xa1: {  	s23 =	simm.s32 $0x1B8B  }
0xa2: {  	_ =	swait.ge [sflag:s23], $0x1  }
0xa3: {  	[sflag:s23] =	ssyncset.done $0x0  }
0xa4: {  	s25 =	simm.s32 $0x1B8E;
	s24 =	sld [smem:$0x3FFE];
	[sflag:s23] =	ssyncadd.s32 $0xFFFFFFFF  }
0xa5: {  	s26 =	simm.s32 $execute0_lowered;
	[smem:$0x3FD2] =	sst s25  }
0xa6: {  	s4 =	sshll.u32 s26, $0x1;
	_ =	strace $0x80000046;
	[dreg:$0x1] =	wrdreg $0xFFFFFFFF  }
0xa7: {  	s28 =	simm.s32 $_size_execute0_lowered;
	s2 =	sadd.s32 s2, s4;
	[dreg:$0x0] =	wrdreg $0x0  }
0xa8: {  	s4 =	sshll.u32 s28, $0x1;
	[dreg:$0x2] =	wrdreg s2  }
0xa9: {  	[dreg:$0x3] =	wrdreg s4  }
0xaa: {  	[dreg:$0x4] =	wrdreg $0xC0  }
0xab: {  	_ =	task [dreg:s6], $0x5FFFF  }
0xac: {  	[dreg:$0x1] =	wrdreg $0xFFFFFFFF  }
0xad: {  	[dreg:$0x0] =	wrdreg $0x60  }
0xae: {  	[dreg:$0x2] =	wrdreg s24  }
0xaf: {  	[dreg:$0x3] =	wrdreg $0x9  }
0xb0: {  	_ =	task.clear_ibuf [dreg:s6], $0x4FFFF;
	_ =	strace $0x90000046  }
0xb1: {  	s29 =	simm.s32 $0x9;
	_ =	strace $0x80000048  }
0xb2: {  	_ =	swait.ge [sflag:s29], $0x1  }
0xb3: {  	[sflag:s29] =	ssyncadd.s32 $0xFFFFFFFF  }
0xb4: {  	_ =	strace $0x90000048  }
0xb5: {  	_ =	sfence  }
0xb6: {  	s30 =	sld [smem:$0x0];
	_ =	sdelay $0x2  }
0xb7: {  	s31 =	sshll.u32 s1, $0xD;
	s1 =	sshrl.u32 s1, $0x2  }
0xb8: {  	s3 =	sand.u32 $0x4000, s31;
	s1 =	sadd.s32 s1, s30  }
0xb9: {  	s0 =	sor.u32 s3, s0;
	s1 =	sshll.u32 s1, $0x11  }
0xba: {  	s0 =	sor.u32 s1, s0  }
0xbb: {  	s0 =	sadd.s32 $0x8F2B, s0  }
0xbc: {  	[sflag:s0] =	ssyncadd.remote.s32 $0x1  }
0xbd: {  	_ =	sfence.sel $0xFFFF  }
0xbe: {  	[dreg:$0x0] =	wrdreg $0xFFFFFFFF;
	(pc) =	sbr.abs _section_cstart, $3  }
0xbf: {  	[dreg:$0x1] =	wrdreg $0xFFFFFFFF  }
0xc0: {  	_ =	task.clear_ibuf [dreg:s6], $0x2FFFF;
	_ =	strace $0x9FFFFFFF  }
0xc1: {  	(tm) =	ssettm $0x7FFFFFFF  }
tec
execute0_lowered:
.L_overlay_start_1:
0x0: {  	(tag) =	ssettag $0x1  }
0x1: {  	s7 =	rddreg [dreg:$0x0]  }
0x2: {  	s1 =	srdreg.scid;
	s0 =	rddreg [dreg:$0x1]  }
0x3: {  	_ =	strace $0x80000047;
	s3 =	simm.s32 $0x1;
	s5 =	simm.s32 $0x2  }
0x4: {  	s9 =	simm.s32 $0x3;
	s11 =	simm.s32 $0x0;
	s2 =	sshll.u32 s1, $0x4  }
.Ltmp0:
0x5: {  	s1 =	stileid.u32;
	s4 =	sand.u32 $0x10, s2;
	(pc) =	sbr.rel .LBB2_1-.Ltmp0, $4  }
0x6: {  	p0 =	por $0x0, $0x0;
	[sflag:s3] =	ssyncpa.u1 $0x0;
	s4 =	sor.u32 s1, s4  }
0x7: {  	s6 =	sadd.s32 $0x184C00, s7;
	[sflag:s5] =	ssyncpa.u1 $0x0;
	s4 =	smul.u32 $0x1B00, s4  }
0x8: {  	s2 =	sadd.s32 $0x18B800, s7;
	s7 =	sadd.s32 $0x4EB800, s7;
	[sflag:s9] =	ssyncpa.u1 $0x0  }
0x9: {  	vm0 =	vmmov $0xff;
	vm1 =	vcmask $0x3F20;
	s9 =	simm.s32 $0x0;
	s8 =	sadd.s32 $0x1B00, s4;
	s10 =	smov.u32 s4  }
.LBB2_6:
0xa: {  	[hbm:s15] =	stream.linear.scatter [tilespmem:s12], [sflag:$0x3], $0x400, $0x38;
	[tilespmem:$0x18300] =	vst v63  }
.LBB2_7:
0xb: {  	p1 =	slt.u32 s9, $0x2;
	s11 =	sadd.s32 $0x180, s10  }
0xc: {  	s13 =	smov.u32 s4;
	s9 =	sadd.s32 $0x1, s9;
	p2 =	slt.s32 s11, s8  }
0xd: {  	s13 =	smov.u32 @p2 s11;
	p2 =	sne.s32 s9, $0x14  }
.Ltmp1:
0xe: {  	_ = 	snop;
	(pc) =	sbr.rel @!p2 .LBB2_8-.Ltmp1, $4  }
0xf: {  	s12 =	simm.s32 @!p1 $0x3  }
0x10: {  	_ =	swait.ge @!p1 [sflag:s12], $0xC000  }
0x11: {  	p0 =	por !p0, !p0;
	[sflag:s12] =	ssyncset.done @!p1 $0x0  }
0x12: {  	s11 =	smov.u32 s10;
	s10 =	smov.u32 s13;
	[sflag:s12] =	ssyncadd.s32 @!p1 $0xFFFF4000  }
.LBB2_1:
0x13: {  	p1 =	sgt.u32 s9, $0x11  }
0x14: {  	s12 =	sxor.u32 @!p1 $0xFFFFFFFF, s9  }
0x15: {  	s12 =	sand.u32 @!p1 $0x1, s12  }
0x16: {  	s12 =	smul.u32 @!p1 $0x600, s12  }
0x17: {  	s31 =	sadd.s32 $0xFFFFFFFF, s9;
	s13 =	sshrl.u32 @!p1 s10, $0x3  }
0x18: {  	s14 =	sand.u32 @!p1 $0x7, s10;
	s13 =	sadd.s32 @!p1 s6, s13;
	s12 =	sshrl.u32 @!p1 s12, $0x2  }
0x19: {  	[tilespmem:s12], [sflag:$0x2] =	stream.linear.gather @!p1 [hbm4b:s13+s14], $0x180, $0x38;
	[tilespmem:$0x18300] =	vst v63  }
0x1a: {  	p1 =	sgt.u32 s31, $0x11  }
.Ltmp2:
0x1b: {  	_ = 	snop;
	(pc) =	sbr.rel @p1 .LBB2_7-.Ltmp2, $1  }
0x1c: {  	_ =	sdelay $0x3  }
0x1d: {  	s12 =	simm.s32 $0x1  }
0x1e: {  	s12 =	simm.s32 @!p0 $0x0  }
0x1f: {  	s13 =	smul.u32 $0x600, s12  }
0x20: {  	_ =	swait.ge [sflag:s5], $0x180  }
0x21: {  	[sflag:s5] =	ssyncset.done $0x0;
	s14 =	sshrl.u32 s13, $0x2  }
0x22: {  	[sflag:s5] =	ssyncadd.s32 $0xFFFFFE80;
	s13 =	sadd.s32 $0x0, s14  }
0x23: {  	v0 =	vld.msk [tilespmem:s13+$0x0 ss:$0x1], $0xffff;
	_ =	sdelay $0x4  }
0x24: {  	v1 =	vand.u32 $0x3F, v0;
	v2 =	vshll.u32 v0, $0x1  }
0x25: {  	vm2 =	veq.s32 v0, $0x80000000;
	v0 =	vmul.u32 $0x90000, v1;
	v1 =	vand.u32 $0xFFF80, v2  }
0x26: {  	v1 =	vsel vm2, $0xFFFFFF80, v1  }
0x27: {  	v0 =	vsel vm2, $0xFFF70000, v0;
	v2 =	vand.u32 $0xFFFFFC00, v1  }
0x28: {  	v1 =	vand.u32 $0x380, v1;
	v0 =	vadd.s32 v0, v2  }
0x29: {  	v0 =	vor.u32 v1, v0  }
0x2a: {  	v0 =	vshrl.u32 v0, $0x3  }
0x2b: {  	s12 =	smul.u32 $0x30000, s12;
	_ =	sdelay $0x1  }
0x2c: {  	s12 =	sshrl.u32 s12, $0x2  }
0x2d: {  	s12 =	sor.u32 $0x300, s12  }
0x2e: {  	[tilespmem:s12], [sflag:$0x1] =	stream.indirect_vreg.gather [hbm:s2], $0x80, v0, vm0, $0x38;
	[tilespmem:$0x18300] =	vst v63  }
0x2f: {  	s15 =	sadd.s32 $0x10, s14;
	s13 =	sadd.s32 $0x400, s12  }
0x30: {  	[tilespmem:s13], [sflag:$0x1] =	stream.indirect_vreg.gather [hbm:s2], $0x80, v0, vm1, $0x38;
	[tilespmem:$0x18300] =	vst v63  }
0x31: {  	s16 =	simm.s32 $0x80;
	v0 =	vld.msk [tilespmem:s15+$0x0 ss:$0x1], $0xffff;
	s15 =	smov.u32 s12  }
.LBB2_3:
0x32: {  	p1 =	sne.s32 s16, $0x5C0;
	_ =	sdelay $0x4  }
0x33: {  	v1 =	vand.u32 $0x3F, v0;
	v2 =	vshll.u32 v0, $0x1  }
0x34: {  	vm2 =	veq.s32 v0, $0x80000000;
	v0 =	vmul.u32 $0x90000, v1;
	v1 =	vand.u32 $0xFFF80, v2  }
0x35: {  	v1 =	vsel vm2, $0xFFFFFF80, v1  }
0x36: {  	v0 =	vsel vm2, $0xFFF70000, v0;
	v2 =	vand.u32 $0xFFFFFC00, v1  }
0x37: {  	v1 =	vand.u32 $0x380, v1;
	v0 =	vadd.s32 v0, v2  }
0x38: {  	v0 =	vor.u32 v1, v0  }
0x39: {  	v0 =	vshrl.u32 v0, $0x3;
	_ =	sdelay $0x3  }
.Ltmp3:
0x3a: {  	s17 =	sshra.s32 s16, $0x2;
	s15 =	sadd.s32 $0x800, s15;
	(pc) =	sbr.rel @p1 .LBB2_3-.Ltmp3, $4  }
0x3b: {  	[tilespmem:s15], [sflag:$0x1] =	stream.indirect_vreg.gather [hbm:s2], $0x80, v0, vm0, $0x38;
	[tilespmem:$0x18300] =	vst v63  }
0x3c: {  	s17 =	sadd.s32 s17, s14;
	s18 =	sadd.s32 $0x400, s15  }
0x3d: {  	[tilespmem:s18], [sflag:$0x1] =	stream.indirect_vreg.gather [hbm:s2], $0x80, v0, vm1, $0x38;
	[tilespmem:$0x18300] =	vst v63  }
0x3e: {  	s16 =	sadd.s32 $0x40, s16;
	v0 =	vld.msk [tilespmem:s17+$0x0 ss:$0x1], $0xffff  }
0x3f: {  	_ =	sdelay $0x3  }
0x40: {  	v1 =	vand.u32 $0x3F, v0;
	v2 =	vshll.u32 v0, $0x1  }
0x41: {  	vm2 =	veq.s32 v0, $0x80000000;
	v61 =	vmul.u32 $0x90000, v1;
	v62 =	vand.u32 $0xFFF80, v2  }
0x42: {  	v1 =	vsel vm2, $0xFFFFFF80, v62  }
0x43: {  	v0 =	vsel vm2, $0xFFF70000, v61;
	v63 =	vand.u32 $0xFFFFFC00, v1  }
0x44: {  	v1 =	vand.u32 $0x380, v1;
	v0 =	vadd.s32 v0, v63  }
0x45: {  	v0 =	vor.u32 v1, v0  }
0x46: {  	v0 =	vshrl.u32 v0, $0x3;
	_ =	sdelay $0x3  }
0x47: {  	s14 =	sadd.s32 $0x800, s15  }
0x48: {  	[tilespmem:s14], [sflag:$0x1] =	stream.indirect_vreg.gather [hbm:s2], $0x80, v0, vm0, $0x38;
	[tilespmem:$0x18300] =	vst v63  }
0x49: {  	s14 =	sadd.s32 $0x400, s14  }
0x4a: {  	[tilespmem:s14], [sflag:$0x1] =	stream.indirect_vreg.gather [hbm:s2], $0x80, v0, vm1, $0x38;
	[tilespmem:$0x18300] =	vst v63  }
0x4b: {  	s11 =	sshll.u32 s11, $0x4;
	_ =	swait.ge [sflag:s3], $0xC000  }
0x4c: {  	s11 =	sadd.s32 s11, s7;
	[sflag:s3] =	ssyncset.done $0x0  }
0x4d: {  	s15 =	sadd.s32 $0x0, s11;
	s14 =	simm.s32 $0x80;
	[sflag:s3] =	ssyncadd.s32 $0xFFFF4000  }
.LBB2_5:
0x4e: {  	[hbm:s15] =	stream.linear.scatter [tilespmem:s12], [sflag:$0x3], $0x400, $0x38;
	[tilespmem:$0x18300] =	vst v63  }
0x4f: {  	s15 =	smov.u32 s14;
	s12 =	smov.u32 s13;
	p1 =	sne.s32 s14, $0x1780  }
.Ltmp4:
0x50: {  	s14 =	sadd.s32 $0x80, s14;
	(pc) =	sbr.rel @p1 .LBB2_5-.Ltmp4, $2  }
0x51: {  	_ =	sdelay $0x2  }
0x52: {  	s13 =	sadd.s32 $0x400, s13;
	s15 =	sadd.s32 s15, s11  }
.Ltmp5:
0x53: {  	_ = 	snop;
	(pc) =	sbr.rel .LBB2_6-.Ltmp5, $1  }
0x54: {  	_ =	sdelay $0x3  }
.LBB2_8:
0x55: {  	_ =	sfence.sel $0x180000  }
0x56: {  	s2 =	simm.s32 $0x2;
	[bflag:$0x0] =	sbarrier.arrive $0xFFFF  }
0x57: {  	s30 =	simm.s32 $0x3;
	[sflag:s2] =	ssyncpa.u1 $0x1  }
0x58: {  	s31 =	simm.s32 $0x1;
	[sflag:s30] =	ssyncpa.u1 $0x1  }
0x59: {  	[sflag:s31] =	ssyncpa.u1 $0x1  }
0x5a: {  	p0 =	sne.s32 s1, $0x0;
	_ =	strace $0x90000047  }
0x5b: {  	s0 =	sadd.s32 @!p0 $0x100000, s0;
	[bflag:$0x2] =	sbarrier.arrive $0xFFFF  }
0x5c: {  	[sflag:s0] =	ssyncadd.tile.s32 @!p0 $0x1;
	_ =	shalt  }
.Lfunc_end2:
_tile_overlayer_lowered:
.L_overlay_start_2:
0x5d: {  	(tag) =	ssettag $0x2  }
0x5e: {  	s0 =	rddreg [dreg:$0x0];
	s2 =	stileid.u32  }
0x5f: {  	s1 =	rddreg [dreg:$0x1];
	p0 =	sne.s32 s2, $0x0  }
0x60: {  	s3 =	rddreg [dreg:$0x2];
	[bflag:$0x3] =	sbarrier.arrive $0xFFFF;
	s2 =	simm.s32 @!p0 $0x1C01  }
0x61: {  	[timem:s3], [sflag:s2] =	dma.local @!p0 [hbm:s0], s1  }
0x62: {  	s0 =	simm.s32 @!p0 $0x1  }
0x63: {  	_ =	swait.ge @!p0 [sflag:s0], s1  }
0x64: {  	s1 =	ssub.s32 @!p0 $0x0, s1;
	[sflag:s0] =	ssyncset.done @!p0 $0x0  }
0x65: {  	[sflag:s0] =	ssyncadd.s32 @!p0 s1  }
0x66: {  	[bflag:$0x3] =	sbarrier.arrive $0xFFFF  }
0x67: {  	_ =	shalt  }

</sc_bundles>
